<compile_context>
chip_gen: v7x
topology: tpu7x:2x2x1
jax: 0.10.2.dev20260603
libtpu: 0.0.44.dev20260713+nightly
codegen_flags: <defaults>
</compile_context>

<pallas_src>
import jax
import jax.numpy as jnp
from jax.experimental import pallas as pl
from jax.experimental.pallas import tpu as pltpu
from jax.experimental.pallas import tpu_sc as plsc

_RB = 8
_V = 16


def _sc_body(concat_hbm, table_hbm, out_hbm):
    rows, hidden = concat_hbm.shape
    seq_blocks = table_hbm.shape[0] // _RB

    def body(c_vmem, t_vmem, o_vmem):
        for r in range(_RB):
            @pl.loop(0, hidden, step=_V)
            def _(c):
                slc = (r, pl.ds(c, _V))
                o_vmem.at[*slc][...] = c_vmem.at[*slc][...] + t_vmem.at[*slc][...]

    pltpu.emit_pipeline(
        body,
        grid=(rows // _RB,),
        in_specs=[
            pl.BlockSpec((_RB, hidden), index_map=lambda i: (i, 0)),
            pl.BlockSpec((_RB, hidden), index_map=lambda i: (i % seq_blocks, 0)),
        ],
        out_specs=[pl.BlockSpec((_RB, hidden), index_map=lambda i: (i, 0))],
        core_axis_name=("core", "subcore"),
        dimension_semantics=(pltpu.PARALLEL,),
    )(concat_hbm, table_hbm, out_hbm)


def kernel(concat_embeddings, position_table):
    batch, seq, hidden = concat_embeddings.shape
    flat = concat_embeddings.reshape(batch * seq, hidden)
    table = position_table[:seq]

    mesh = plsc.VectorSubcoreMesh(core_axis_name="core", subcore_axis_name="subcore")
    sc_fn = pl.kernel(
        _sc_body,
        out_type=jax.ShapeDtypeStruct((batch * seq, hidden), concat_embeddings.dtype),
        mesh=mesh,
        scratch_types=[],
    )
    return sc_fn(flat, table).reshape(batch, seq, hidden)

# --- scband reference (transcript-rebuilt; emitter-appended) ---
"""Pipeline reference for scband-cross-embeddings-1580547967512 (READ-ONLY COPY).

The authoritative reference and input builder live on the scoring server;
editing this copy changes nothing except your own understanding.
"""

import jax, jax.numpy as jnp
import numpy as np

MAX_POS = 2048
HIDDEN = 1024
BATCH = 4
SEQ = 2048

def setup_inputs(seed: int = 0) -> dict:
    key = jax.random.key(seed)
    k1, k2 = jax.random.split(key)
    concat_embeddings = jax.random.normal(k1, (BATCH, SEQ, HIDDEN), dtype=jnp.float32)
    position_table = jax.random.normal(k2, (MAX_POS, HIDDEN), dtype=jnp.float32) * 0.02
    return {"concat_embeddings": concat_embeddings, "position_table": position_table}

def reference(concat_embeddings, position_table):
    batch, seq_length = concat_embeddings.shape[0], concat_embeddings.shape[1]
    position_ids = jnp.arange(seq_length, dtype=jnp.int32)
    position_ids = jnp.broadcast_to(position_ids[None, :], (batch, seq_length))
    position_embeddings = jnp.take(position_table, position_ids, axis=0)
    embeddings = concat_embeddings + position_embeddings
    # dropout is identity in eval/deterministic mode
    return embeddings

if __name__ == "__main__":
    import jax
    _d = setup_inputs()
    print(jax.jit(kernel)(*tuple(_d.values())))

</pallas_src>

<mosaic_0001>
#map = affine_map<(d0, d1) -> (0, 0)>
module attributes {stable_mosaic.version = 14 : i64} {
  func.func @_sc_body(%arg0: i32, %arg1: i32, %arg2: memref<8192x1024xf32, #tpu.memory_space<hbm>>, %arg3: memref<2048x1024xf32, #tpu.memory_space<hbm>>, %arg4: memref<8192x1024xf32, #tpu.memory_space<hbm>>) attributes {dimension_semantics = [#tpu.dimension_semantics<core_parallel>, #tpu.dimension_semantics<subcore_parallel>], iteration_bounds = array<i64: 2, 16>, scalar_prefetch = 0 : i64, scratch_operands = 0 : i64, tpu.core_type = #tpu.core_type<sc_vector_subcore>, window_params = [{transform_indices = #map}, {transform_indices = #map}, {transform_indices = #map}]} {
    %mul3A = arith.constant 1 : i32
    %mul3A_0 = arith.muli %arg1, %mul3A : i32
    %add3A = arith.constant 0 : i32
    %add3A_1 = arith.addi %add3A, %mul3A_0 : i32
    %mul3A_2 = arith.constant 16 : i32
    %mul3A_3 = arith.muli %arg0, %mul3A_2 : i32
    %add3A_4 = arith.addi %add3A_1, %mul3A_3 : i32
    %mul3A_5 = arith.constant 32 : i32
    %mul3A_6 = arith.muli %add3A_4, %mul3A_5 : i32
    "tpu.region"() ({
      %run_scoped3A = memref.alloca() : memref<2x8x1024xf32, #tpu.memory_space<vmem>>
      %run_scoped3A_7 = tpu.sem_alloc : memref<2x!tpu.dma_semaphore, #tpu.memory_space<semaphore_mem>>
      %run_scoped3A_8 = memref.alloca() : memref<2x8x1024xf32, #tpu.memory_space<vmem>>
      %run_scoped3A_9 = tpu.sem_alloc : memref<2x!tpu.dma_semaphore, #tpu.memory_space<semaphore_mem>>
      %run_scoped3A_10 = memref.alloca() : memref<2x8x1024xf32, #tpu.memory_space<vmem>>
      %run_scoped3A_11 = tpu.sem_alloc : memref<2x!tpu.dma_semaphore, #tpu.memory_space<semaphore_mem>>
      %add3A_12 = arith.constant 0 : i32
      %add3A_13 = arith.addi %add3A_12, %mul3A_6 : i32
      %select_n3A = arith.constant true
      %select_n3A_14 = arith.constant 0 : i32
      %select_n3A_15 = arith.constant -1 : i32
      %select_n3A_16 = arith.select %select_n3A, %select_n3A_15, %select_n3A_14 : i32
      %eq3A = arith.constant -1 : i32
      %eq3A_17 = arith.cmpi eq, %select_n3A_16, %eq3A : i32
      %select_n3A_18 = arith.constant 31 : i32
      %select_n3A_19 = arith.select %eq3A_17, %select_n3A_18, %select_n3A_16 : i32
      %add3A_20 = arith.addi %select_n3A_19, %mul3A_6 : i32
      %select_n3A_21 = arith.constant true
      %select_n3A_22 = arith.constant 0 : i32
      %select_n3A_23 = arith.constant 1 : i32
      %select_n3A_24 = arith.select %select_n3A_21, %select_n3A_23, %select_n3A_22 : i32
      %eq3A_25 = arith.constant 32 : i32
      %eq3A_26 = arith.cmpi eq, %select_n3A_24, %eq3A_25 : i32
      %select_n3A_27 = arith.constant 0 : i32
      %select_n3A_28 = arith.select %eq3A_26, %select_n3A_27, %select_n3A_24 : i32
      %add3A_29 = arith.addi %select_n3A_28, %mul3A_6 : i32
      %add3A_30 = arith.constant 1 : i32
      %add3A_31 = arith.addi %select_n3A_28, %add3A_30 : i32
      %select_n3A_32 = arith.constant true
      %select_n3A_33 = arith.select %select_n3A_32, %add3A_31, %select_n3A_28 : i32
      %eq3A_34 = arith.constant 32 : i32
      %eq3A_35 = arith.cmpi eq, %select_n3A_33, %eq3A_34 : i32
      %select_n3A_36 = arith.constant 0 : i32
      %select_n3A_37 = arith.select %eq3A_35, %select_n3A_36, %select_n3A_33 : i32
      %add3A_38 = arith.addi %select_n3A_37, %mul3A_6 : i32
      "tpu.trace_start"() <{level = 10 : i32, message = "ep_initialize_0"}> : () -> ()
      %rem3A = arith.constant 0 : i32
      %rem3A_39 = arith.constant 2 : i32
      %rem3A_40 = arith.remui %rem3A, %rem3A_39 : i32
      %mul3A_41 = arith.constant 8 : i32
      %mul3A_42 = arith.muli %mul3A_41, %add3A_13 : i32
      %dma_start3A = arith.constant 0 : i32
      %dma_start3A_43 = arith.constant 0 : i32
      %dma_start3A_44 = tpu.memref_slice %run_scoped3A[%rem3A_40, %dma_start3A, %dma_start3A_43] : memref<2x8x1024xf32, #tpu.memory_space<vmem>> -> memref<1x8x1024xf32, #tpu.memory_space<vmem>>
      %dma_start3A_45 = tpu.memref_squeeze %dma_start3A_44 : memref<1x8x1024xf32, #tpu.memory_space<vmem>> -> memref<8x1024xf32, #tpu.memory_space<vmem>>
      %dma_start3A_46 = arith.constant 0 : i32
      %dma_start3A_47 = tpu.memref_slice %arg2[%mul3A_42, %dma_start3A_46] : memref<8192x1024xf32, #tpu.memory_space<hbm>> -> memref<8x1024xf32, #tpu.memory_space<hbm>>
      %dma_start3A_48 = tpu.memref_slice %run_scoped3A_7[%rem3A_40] : memref<2x!tpu.dma_semaphore, #tpu.memory_space<semaphore_mem>> -> memref<1x!tpu.dma_semaphore, #tpu.memory_space<semaphore_mem>>
      %dma_start3A_49 = tpu.memref_squeeze %dma_start3A_48 : memref<1x!tpu.dma_semaphore, #tpu.memory_space<semaphore_mem>> -> memref<!tpu.dma_semaphore, #tpu.memory_space<semaphore_mem>>
      %dma_start3A_50 = arith.constant 0 : i32
      %dma_start3A_51 = arith.constant 0 : i32
      %dma_start3A_52 = tpu.memref_slice %run_scoped3A[%rem3A_40, %dma_start3A_50, %dma_start3A_51] : memref<2x8x1024xf32, #tpu.memory_space<vmem>> -> memref<1x8x1024xf32, #tpu.memory_space<vmem>>
      %dma_start3A_53 = tpu.memref_squeeze %dma_start3A_52 : memref<1x8x1024xf32, #tpu.memory_space<vmem>> -> memref<8x1024xf32, #tpu.memory_space<vmem>>
      %dma_start3A_54 = arith.constant 0 : i32
      %dma_start3A_55 = tpu.memref_slice %arg2[%mul3A_42, %dma_start3A_54] : memref<8192x1024xf32, #tpu.memory_space<hbm>> -> memref<8x1024xf32, #tpu.memory_space<hbm>>
      tpu.enqueue_dma source(%dma_start3A_55 : memref<8x1024xf32, #tpu.memory_space<hbm>>) target(%dma_start3A_53 : memref<8x1024xf32, #tpu.memory_space<vmem>>) target_semaphore(%dma_start3A_49 : memref<!tpu.dma_semaphore, #tpu.memory_space<semaphore_mem>>)
      %add3A_56 = arith.constant 0 : i32
      %add3A_57 = arith.constant 1 : i32
      %add3A_58 = arith.addi %add3A_56, %add3A_57 : i32
      %select_n3A_59 = arith.constant true
      %select_n3A_60 = arith.constant 0 : i32
      %select_n3A_61 = arith.select %select_n3A_59, %add3A_58, %select_n3A_60 : i32
      %rem3A_62 = arith.constant 0 : i32
      %rem3A_63 = arith.constant 2 : i32
      %rem3A_64 = arith.remui %rem3A_62, %rem3A_63 : i32
      %jit3A = arith.constant 256 : i32
      %eq3A_65 = arith.constant 0 : i32
      %eq3A_66 = arith.cmpi eq, %jit3A, %eq3A_65 : i32
      %jit3A_67 = arith.constant 1 : i32
      %select_n3A_68 = arith.select %eq3A_66, %jit3A_67, %jit3A : i32
      %rem3A_69 = arith.remsi %add3A_13, %select_n3A_68 : i32
      %ne3A = arith.constant 0 : i32
      %ne3A_70 = arith.cmpi ne, %rem3A_69, %ne3A : i32
      %lt3A = arith.constant 0 : i32
      %lt3A_71 = arith.cmpi slt, %rem3A_69, %lt3A : i32
      %lt3A_72 = arith.constant 0 : i32
      %lt3A_73 = arith.cmpi slt, %select_n3A_68, %lt3A_72 : i32
      %ne3A_74 = arith.xori %lt3A_71, %lt3A_73 : i1
      %and3A = arith.andi %ne3A_74, %ne3A_70 : i1
      %add3A_75 = arith.addi %rem3A_69, %select_n3A_68 : i32
      %select_n3A_76 = arith.select %and3A, %add3A_75, %rem3A_69 : i32
      %mul3A_77 = arith.constant 8 : i32
      %mul3A_78 = arith.muli %mul3A_77, %select_n3A_76 : i32
      %dma_start3A_79 = arith.constant 0 : i32
      %dma_start3A_80 = arith.constant 0 : i32
      %dma_start3A_81 = tpu.memref_slice %run_scoped3A_8[%rem3A_64, %dma_start3A_79, %dma_start3A_80] : memref<2x8x1024xf32, #tpu.memory_space<vmem>> -> memref<1x8x1024xf32, #tpu.memory_space<vmem>>
      %dma_start3A_82 = tpu.memref_squeeze %dma_start3A_81 : memref<1x8x1024xf32, #tpu.memory_space<vmem>> -> memref<8x1024xf32, #tpu.memory_space<vmem>>
      %dma_start3A_83 = arith.constant 0 : i32
      %dma_start3A_84 = tpu.memref_slice %arg3[%mul3A_78, %dma_start3A_83] : memref<2048x1024xf32, #tpu.memory_space<hbm>> -> memref<8x1024xf32, #tpu.memory_space<hbm>>
      %dma_start3A_85 = tpu.memref_slice %run_scoped3A_9[%rem3A_64] : memref<2x!tpu.dma_semaphore, #tpu.memory_space<semaphore_mem>> -> memref<1x!tpu.dma_semaphore, #tpu.memory_space<semaphore_mem>>
      %dma_start3A_86 = tpu.memref_squeeze %dma_start3A_85 : memref<1x!tpu.dma_semaphore, #tpu.memory_space<semaphore_mem>> -> memref<!tpu.dma_semaphore, #tpu.memory_space<semaphore_mem>>
      %dma_start3A_87 = arith.constant 0 : i32
      %dma_start3A_88 = arith.constant 0 : i32
      %dma_start3A_89 = tpu.memref_slice %run_scoped3A_8[%rem3A_64, %dma_start3A_87, %dma_start3A_88] : memref<2x8x1024xf32, #tpu.memory_space<vmem>> -> memref<1x8x1024xf32, #tpu.memory_space<vmem>>
      %dma_start3A_90 = tpu.memref_squeeze %dma_start3A_89 : memref<1x8x1024xf32, #tpu.memory_space<vmem>> -> memref<8x1024xf32, #tpu.memory_space<vmem>>
      %dma_start3A_91 = arith.constant 0 : i32
      %dma_start3A_92 = tpu.memref_slice %arg3[%mul3A_78, %dma_start3A_91] : memref<2048x1024xf32, #tpu.memory_space<hbm>> -> memref<8x1024xf32, #tpu.memory_space<hbm>>
      tpu.enqueue_dma source(%dma_start3A_92 : memref<8x1024xf32, #tpu.memory_space<hbm>>) target(%dma_start3A_90 : memref<8x1024xf32, #tpu.memory_space<vmem>>) target_semaphore(%dma_start3A_86 : memref<!tpu.dma_semaphore, #tpu.memory_space<semaphore_mem>>)
      %add3A_93 = arith.constant 0 : i32
      %add3A_94 = arith.constant 1 : i32
      %add3A_95 = arith.addi %add3A_93, %add3A_94 : i32
      %select_n3A_96 = arith.constant true
      %select_n3A_97 = arith.constant 0 : i32
      %select_n3A_98 = arith.select %select_n3A_96, %add3A_95, %select_n3A_97 : i32
      "tpu.trace_stop"() : () -> ()
      %scan3A = arith.constant 0 : i32
      %scan3A_99 = arith.constant 0 : i32
      %scan3A_100 = arith.constant 0 : i32
      %scan3A_101 = arith.constant 0 : i32
      %scan3A_102 = arith.constant 0 : i32
      %scan3A_103 = arith.constant 0 : i32
      %scan3A_104 = arith.constant 32 : i32
      %scan3A_105 = arith.addi %scan3A_103, %scan3A_104 : i32
      %scan3A_106 = arith.constant 1 : i32
      %scan3A_107:7 = scf.for %scan3A_161 = %scan3A_103 to %scan3A_105 step %scan3A_106 iter_args(%scan3A_162 = %select_n3A_61, %scan3A_163 = %scan3A, %scan3A_164 = %select_n3A_98, %scan3A_165 = %scan3A_99, %scan3A_166 = %scan3A_100, %scan3A_167 = %scan3A_101, %scan3A_168 = %scan3A_102) -> (i32, i32, i32, i32, i32, i32, i32)  : i32 {
        %eq3A_169 = arith.constant 0 : i32
        %eq3A_170 = arith.cmpi eq, %scan3A_161, %eq3A_169 : i32
        %eq3A_171 = arith.constant 31 : i32
        %eq3A_172 = arith.cmpi eq, %scan3A_161, %eq3A_171 : i32
        %add3A_173 = arith.addi %scan3A_168, %mul3A_6 : i32
        %sub3A_174 = arith.constant 1 : i32
        %sub3A_175 = arith.subi %scan3A_168, %sub3A_174 : i32
        %select_n3A_176 = arith.constant true
        %select_n3A_177 = arith.select %select_n3A_176, %sub3A_175, %scan3A_168 : i32
        %eq3A_178 = arith.constant -1 : i32
        %eq3A_179 = arith.cmpi eq, %select_n3A_177, %eq3A_178 : i32
        %select_n3A_180 = arith.constant 31 : i32
        %select_n3A_181 = arith.select %eq3A_179, %select_n3A_180, %select_n3A_177 : i32
        %add3A_182 = arith.addi %select_n3A_181, %mul3A_6 : i32
        %add3A_183 = arith.constant 1 : i32
        %add3A_184 = arith.addi %scan3A_168, %add3A_183 : i32
        %select_n3A_185 = arith.constant true
        %select_n3A_186 = arith.select %select_n3A_185, %add3A_184, %scan3A_168 : i32
        %eq3A_187 = arith.constant 32 : i32
        %eq3A_188 = arith.cmpi eq, %select_n3A_186, %eq3A_187 : i32
        %select_n3A_189 = arith.constant 0 : i32
        %select_n3A_190 = arith.select %eq3A_188, %select_n3A_189, %select_n3A_186 : i32
        %add3A_191 = arith.addi %select_n3A_190, %mul3A_6 : i32
        %add3A_192 = arith.constant 1 : i32
        %add3A_193 = arith.addi %select_n3A_190, %add3A_192 : i32
        %select_n3A_194 = arith.constant true
        %select_n3A_195 = arith.select %select_n3A_194, %add3A_193, %select_n3A_190 : i32
        %eq3A_196 = arith.constant 32 : i32
        %eq3A_197 = arith.cmpi eq, %select_n3A_195, %eq3A_196 : i32
        %select_n3A_198 = arith.constant 0 : i32
        %select_n3A_199 = arith.select %eq3A_197, %select_n3A_198, %select_n3A_195 : i32
        %add3A_200 = arith.addi %select_n3A_199, %mul3A_6 : i32
        %ne3A_201 = arith.cmpi ne, %add3A_173, %add3A_191 : i32
        %or3A = arith.constant false
        %or3A_202 = arith.ori %or3A, %ne3A_201 : i1
        %or3A_203 = arith.constant false
        %or3A_204 = arith.ori %or3A_202, %or3A_203 : i1
        %ge3A = arith.constant 31 : i32
        %ge3A_205 = arith.cmpi sge, %scan3A_161, %ge3A : i32
        %not3A = arith.constant true
        %not3A_206 = arith.xori %ge3A_205, %not3A : i1
        %and3A_207 = arith.andi %or3A_204, %not3A_206 : i1
        %convert_element_type3A = arith.extui %and3A_207 : i1 to i32
        %cond3A = arith.constant 0 : i32
        %cond3A_208 = arith.cmpi ne, %convert_element_type3A, %cond3A : i32
        scf.if %cond3A_208 {
          "tpu.trace_start"() <{level = 10 : i32, message = "ep_copy_in"}> : () -> ()
          %rem3A_579 = arith.constant 2 : i32
          %rem3A_580 = arith.remui %scan3A_162, %rem3A_579 : i32
          %mul3A_581 = arith.constant 8 : i32
          %mul3A_582 = arith.muli %mul3A_581, %add3A_191 : i32
          %dma_start3A_583 = arith.constant 0 : i32
          %dma_start3A_584 = arith.constant 0 : i32
          %dma_start3A_585 = tpu.memref_slice %run_scoped3A[%rem3A_580, %dma_start3A_583, %dma_start3A_584] : memref<2x8x1024xf32, #tpu.memory_space<vmem>> -> memref<1x8x1024xf32, #tpu.memory_space<vmem>>
          %dma_start3A_586 = tpu.memref_squeeze %dma_start3A_585 : memref<1x8x1024xf32, #tpu.memory_space<vmem>> -> memref<8x1024xf32, #tpu.memory_space<vmem>>
          %dma_start3A_587 = arith.constant 0 : i32
          %dma_start3A_588 = tpu.memref_slice %arg2[%mul3A_582, %dma_start3A_587] : memref<8192x1024xf32, #tpu.memory_space<hbm>> -> memref<8x1024xf32, #tpu.memory_space<hbm>>
          %dma_start3A_589 = tpu.memref_slice %run_scoped3A_7[%rem3A_580] : memref<2x!tpu.dma_semaphore, #tpu.memory_space<semaphore_mem>> -> memref<1x!tpu.dma_semaphore, #tpu.memory_space<semaphore_mem>>
          %dma_start3A_590 = tpu.memref_squeeze %dma_start3A_589 : memref<1x!tpu.dma_semaphore, #tpu.memory_space<semaphore_mem>> -> memref<!tpu.dma_semaphore, #tpu.memory_space<semaphore_mem>>
          %dma_start3A_591 = arith.constant 0 : i32
          %dma_start3A_592 = arith.constant 0 : i32
          %dma_start3A_593 = tpu.memref_slice %run_scoped3A[%rem3A_580, %dma_start3A_591, %dma_start3A_592] : memref<2x8x1024xf32, #tpu.memory_space<vmem>> -> memref<1x8x1024xf32, #tpu.memory_space<vmem>>
          %dma_start3A_594 = tpu.memref_squeeze %dma_start3A_593 : memref<1x8x1024xf32, #tpu.memory_space<vmem>> -> memref<8x1024xf32, #tpu.memory_space<vmem>>
          %dma_start3A_595 = arith.constant 0 : i32
          %dma_start3A_596 = tpu.memref_slice %arg2[%mul3A_582, %dma_start3A_595] : memref<8192x1024xf32, #tpu.memory_space<hbm>> -> memref<8x1024xf32, #tpu.memory_space<hbm>>
          tpu.enqueue_dma source(%dma_start3A_596 : memref<8x1024xf32, #tpu.memory_space<hbm>>) target(%dma_start3A_594 : memref<8x1024xf32, #tpu.memory_space<vmem>>) target_semaphore(%dma_start3A_590 : memref<!tpu.dma_semaphore, #tpu.memory_space<semaphore_mem>>)
          "tpu.trace_stop"() : () -> ()
        } else {
        }
        %and3A_209 = arith.constant true
        %and3A_210 = arith.andi %and3A_207, %and3A_209 : i1
        %add3A_211 = arith.constant 1 : i32
        %add3A_212 = arith.addi %scan3A_162, %add3A_211 : i32
        %select_n3A_213 = arith.select %and3A_210, %add3A_212, %scan3A_162 : i32
        %jit3A_214 = arith.constant 256 : i32
        %eq3A_215 = arith.constant 0 : i32
        %eq3A_216 = arith.cmpi eq, %jit3A_214, %eq3A_215 : i32
        %jit3A_217 = arith.constant 1 : i32
        %select_n3A_218 = arith.select %eq3A_216, %jit3A_217, %jit3A_214 : i32
        %rem3A_219 = arith.remsi %add3A_173, %select_n3A_218 : i32
        %ne3A_220 = arith.constant 0 : i32
        %ne3A_221 = arith.cmpi ne, %rem3A_219, %ne3A_220 : i32
        %lt3A_222 = arith.constant 0 : i32
        %lt3A_223 = arith.cmpi slt, %rem3A_219, %lt3A_222 : i32
        %lt3A_224 = arith.constant 0 : i32
        %lt3A_225 = arith.cmpi slt, %select_n3A_218, %lt3A_224 : i32
        %ne3A_226 = arith.xori %lt3A_223, %lt3A_225 : i1
        %and3A_227 = arith.andi %ne3A_226, %ne3A_221 : i1
        %add3A_228 = arith.addi %rem3A_219, %select_n3A_218 : i32
        %select_n3A_229 = arith.select %and3A_227, %add3A_228, %rem3A_219 : i32
        %jit3A_230 = arith.constant 256 : i32
        %eq3A_231 = arith.constant 0 : i32
        %eq3A_232 = arith.cmpi eq, %jit3A_230, %eq3A_231 : i32
        %jit3A_233 = arith.constant 1 : i32
        %select_n3A_234 = arith.select %eq3A_232, %jit3A_233, %jit3A_230 : i32
        %rem3A_235 = arith.remsi %add3A_191, %select_n3A_234 : i32
        %ne3A_236 = arith.constant 0 : i32
        %ne3A_237 = arith.cmpi ne, %rem3A_235, %ne3A_236 : i32
        %lt3A_238 = arith.constant 0 : i32
        %lt3A_239 = arith.cmpi slt, %rem3A_235, %lt3A_238 : i32
        %lt3A_240 = arith.constant 0 : i32
        %lt3A_241 = arith.cmpi slt, %select_n3A_234, %lt3A_240 : i32
        %ne3A_242 = arith.xori %lt3A_239, %lt3A_241 : i1
        %and3A_243 = arith.andi %ne3A_242, %ne3A_237 : i1
        %add3A_244 = arith.addi %rem3A_235, %select_n3A_234 : i32
        %select_n3A_245 = arith.select %and3A_243, %add3A_244, %rem3A_235 : i32
        %ne3A_246 = arith.cmpi ne, %select_n3A_229, %select_n3A_245 : i32
        %or3A_247 = arith.constant false
        %or3A_248 = arith.ori %or3A_247, %ne3A_246 : i1
        %or3A_249 = arith.constant false
        %or3A_250 = arith.ori %or3A_248, %or3A_249 : i1
        %ge3A_251 = arith.constant 31 : i32
        %ge3A_252 = arith.cmpi sge, %scan3A_161, %ge3A_251 : i32
        %not3A_253 = arith.constant true
        %not3A_254 = arith.xori %ge3A_252, %not3A_253 : i1
        %and3A_255 = arith.andi %or3A_250, %not3A_254 : i1
        %convert_element_type3A_256 = arith.extui %and3A_255 : i1 to i32
        %cond3A_257 = arith.constant 0 : i32
        %cond3A_258 = arith.cmpi ne, %convert_element_type3A_256, %cond3A_257 : i32
        scf.if %cond3A_258 {
          "tpu.trace_start"() <{level = 10 : i32, message = "ep_copy_in"}> : () -> ()
          %rem3A_579 = arith.constant 2 : i32
          %rem3A_580 = arith.remui %scan3A_164, %rem3A_579 : i32
          %jit3A_581 = arith.constant 256 : i32
          %eq3A_582 = arith.constant 0 : i32
          %eq3A_583 = arith.cmpi eq, %jit3A_581, %eq3A_582 : i32
          %jit3A_584 = arith.constant 1 : i32
          %select_n3A_585 = arith.select %eq3A_583, %jit3A_584, %jit3A_581 : i32
          %rem3A_586 = arith.remsi %add3A_191, %select_n3A_585 : i32
          %ne3A_587 = arith.constant 0 : i32
          %ne3A_588 = arith.cmpi ne, %rem3A_586, %ne3A_587 : i32
          %lt3A_589 = arith.constant 0 : i32
          %lt3A_590 = arith.cmpi slt, %rem3A_586, %lt3A_589 : i32
          %lt3A_591 = arith.constant 0 : i32
          %lt3A_592 = arith.cmpi slt, %select_n3A_585, %lt3A_591 : i32
          %ne3A_593 = arith.xori %lt3A_590, %lt3A_592 : i1
          %and3A_594 = arith.andi %ne3A_593, %ne3A_588 : i1
          %add3A_595 = arith.addi %rem3A_586, %select_n3A_585 : i32
          %select_n3A_596 = arith.select %and3A_594, %add3A_595, %rem3A_586 : i32
          %mul3A_597 = arith.constant 8 : i32
          %mul3A_598 = arith.muli %mul3A_597, %select_n3A_596 : i32
          %dma_start3A_599 = arith.constant 0 : i32
          %dma_start3A_600 = arith.constant 0 : i32
          %dma_start3A_601 = tpu.memref_slice %run_scoped3A_8[%rem3A_580, %dma_start3A_599, %dma_start3A_600] : memref<2x8x1024xf32, #tpu.memory_space<vmem>> -> memref<1x8x1024xf32, #tpu.memory_space<vmem>>
          %dma_start3A_602 = tpu.memref_squeeze %dma_start3A_601 : memref<1x8x1024xf32, #tpu.memory_space<vmem>> -> memref<8x1024xf32, #tpu.memory_space<vmem>>
          %dma_start3A_603 = arith.constant 0 : i32
          %dma_start3A_604 = tpu.memref_slice %arg3[%mul3A_598, %dma_start3A_603] : memref<2048x1024xf32, #tpu.memory_space<hbm>> -> memref<8x1024xf32, #tpu.memory_space<hbm>>
          %dma_start3A_605 = tpu.memref_slice %run_scoped3A_9[%rem3A_580] : memref<2x!tpu.dma_semaphore, #tpu.memory_space<semaphore_mem>> -> memref<1x!tpu.dma_semaphore, #tpu.memory_space<semaphore_mem>>
          %dma_start3A_606 = tpu.memref_squeeze %dma_start3A_605 : memref<1x!tpu.dma_semaphore, #tpu.memory_space<semaphore_mem>> -> memref<!tpu.dma_semaphore, #tpu.memory_space<semaphore_mem>>
          %dma_start3A_607 = arith.constant 0 : i32
          %dma_start3A_608 = arith.constant 0 : i32
          %dma_start3A_609 = tpu.memref_slice %run_scoped3A_8[%rem3A_580, %dma_start3A_607, %dma_start3A_608] : memref<2x8x1024xf32, #tpu.memory_space<vmem>> -> memref<1x8x1024xf32, #tpu.memory_space<vmem>>
          %dma_start3A_610 = tpu.memref_squeeze %dma_start3A_609 : memref<1x8x1024xf32, #tpu.memory_space<vmem>> -> memref<8x1024xf32, #tpu.memory_space<vmem>>
          %dma_start3A_611 = arith.constant 0 : i32
          %dma_start3A_612 = tpu.memref_slice %arg3[%mul3A_598, %dma_start3A_611] : memref<2048x1024xf32, #tpu.memory_space<hbm>> -> memref<8x1024xf32, #tpu.memory_space<hbm>>
          tpu.enqueue_dma source(%dma_start3A_612 : memref<8x1024xf32, #tpu.memory_space<hbm>>) target(%dma_start3A_610 : memref<8x1024xf32, #tpu.memory_space<vmem>>) target_semaphore(%dma_start3A_606 : memref<!tpu.dma_semaphore, #tpu.memory_space<semaphore_mem>>)
          "tpu.trace_stop"() : () -> ()
        } else {
        }
        %and3A_259 = arith.constant true
        %and3A_260 = arith.andi %and3A_255, %and3A_259 : i1
        %add3A_261 = arith.constant 1 : i32
        %add3A_262 = arith.addi %scan3A_164, %add3A_261 : i32
        %select_n3A_263 = arith.select %and3A_260, %add3A_262, %scan3A_164 : i32
        %ne3A_264 = arith.cmpi ne, %add3A_173, %add3A_191 : i32
        %or3A_265 = arith.constant false
        %or3A_266 = arith.ori %or3A_265, %ne3A_264 : i1
        %or3A_267 = arith.constant false
        %or3A_268 = arith.ori %or3A_266, %or3A_267 : i1
        %ge3A_269 = arith.constant 31 : i32
        %ge3A_270 = arith.cmpi sge, %scan3A_161, %ge3A_269 : i32
        %not3A_271 = arith.constant true
        %not3A_272 = arith.xori %ge3A_270, %not3A_271 : i1
        %and3A_273 = arith.andi %or3A_268, %not3A_272 : i1
        %ne3A_274 = arith.cmpi ne, %add3A_173, %add3A_182 : i32
        %or3A_275 = arith.constant false
        %or3A_276 = arith.ori %or3A_275, %ne3A_274 : i1
        %or3A_277 = arith.constant false
        %or3A_278 = arith.ori %or3A_276, %or3A_277 : i1
        %or3A_279 = arith.ori %or3A_278, %eq3A_170 : i1
        %convert_element_type3A_280 = arith.extui %or3A_279 : i1 to i32
        %cond3A_281 = arith.constant 0 : i32
        %cond3A_282 = arith.cmpi ne, %convert_element_type3A_280, %cond3A_281 : i32
        scf.if %cond3A_282 {
          "tpu.trace_start"() <{level = 10 : i32, message = "ep_wait_in"}> : () -> ()
          %mul3A_579 = arith.constant 8 : i32
          %mul3A_580 = arith.muli %mul3A_579, %add3A_173 : i32
          %rem3A_581 = arith.constant 2 : i32
          %rem3A_582 = arith.remui %scan3A_163, %rem3A_581 : i32
          %dma_wait3A_583 = arith.constant 0 : i32
          %dma_wait3A_584 = arith.constant 0 : i32
          %dma_wait3A_585 = tpu.memref_slice %run_scoped3A[%rem3A_582, %dma_wait3A_583, %dma_wait3A_584] : memref<2x8x1024xf32, #tpu.memory_space<vmem>> -> memref<1x8x1024xf32, #tpu.memory_space<vmem>>
          %dma_wait3A_586 = tpu.memref_squeeze %dma_wait3A_585 : memref<1x8x1024xf32, #tpu.memory_space<vmem>> -> memref<8x1024xf32, #tpu.memory_space<vmem>>
          %dma_wait3A_587 = arith.constant 0 : i32
          %dma_wait3A_588 = tpu.memref_slice %arg2[%mul3A_580, %dma_wait3A_587] : memref<8192x1024xf32, #tpu.memory_space<hbm>> -> memref<8x1024xf32, #tpu.memory_space<hbm>>
          %dma_wait3A_589 = tpu.memref_slice %run_scoped3A_7[%rem3A_582] : memref<2x!tpu.dma_semaphore, #tpu.memory_space<semaphore_mem>> -> memref<1x!tpu.dma_semaphore, #tpu.memory_space<semaphore_mem>>
          %dma_wait3A_590 = tpu.memref_squeeze %dma_wait3A_589 : memref<1x!tpu.dma_semaphore, #tpu.memory_space<semaphore_mem>> -> memref<!tpu.dma_semaphore, #tpu.memory_space<semaphore_mem>>
          %dma_wait3A_591 = arith.constant 0 : i32
          %dma_wait3A_592 = arith.constant 0 : i32
          %dma_wait3A_593 = tpu.memref_slice %run_scoped3A[%rem3A_582, %dma_wait3A_591, %dma_wait3A_592] : memref<2x8x1024xf32, #tpu.memory_space<vmem>> -> memref<1x8x1024xf32, #tpu.memory_space<vmem>>
          %dma_wait3A_594 = tpu.memref_squeeze %dma_wait3A_593 : memref<1x8x1024xf32, #tpu.memory_space<vmem>> -> memref<8x1024xf32, #tpu.memory_space<vmem>>
          %dma_wait3A_595 = arith.constant 0 : i32
          %dma_wait3A_596 = tpu.memref_slice %arg2[%mul3A_580, %dma_wait3A_595] : memref<8192x1024xf32, #tpu.memory_space<hbm>> -> memref<8x1024xf32, #tpu.memory_space<hbm>>
          tpu.wait_dma2 semaphore(%dma_wait3A_590 : memref<!tpu.dma_semaphore, #tpu.memory_space<semaphore_mem>>) src(%dma_wait3A_596 : memref<8x1024xf32, #tpu.memory_space<hbm>>) dst(%dma_wait3A_594 : memref<8x1024xf32, #tpu.memory_space<vmem>>)
          "tpu.trace_stop"() : () -> ()
        } else {
        }
        %jit3A_283 = arith.constant 256 : i32
        %eq3A_284 = arith.constant 0 : i32
        %eq3A_285 = arith.cmpi eq, %jit3A_283, %eq3A_284 : i32
        %jit3A_286 = arith.constant 1 : i32
        %select_n3A_287 = arith.select %eq3A_285, %jit3A_286, %jit3A_283 : i32
        %rem3A_288 = arith.remsi %add3A_173, %select_n3A_287 : i32
        %ne3A_289 = arith.constant 0 : i32
        %ne3A_290 = arith.cmpi ne, %rem3A_288, %ne3A_289 : i32
        %lt3A_291 = arith.constant 0 : i32
        %lt3A_292 = arith.cmpi slt, %rem3A_288, %lt3A_291 : i32
        %lt3A_293 = arith.constant 0 : i32
        %lt3A_294 = arith.cmpi slt, %select_n3A_287, %lt3A_293 : i32
        %ne3A_295 = arith.xori %lt3A_292, %lt3A_294 : i1
        %and3A_296 = arith.andi %ne3A_295, %ne3A_290 : i1
        %add3A_297 = arith.addi %rem3A_288, %select_n3A_287 : i32
        %select_n3A_298 = arith.select %and3A_296, %add3A_297, %rem3A_288 : i32
        %jit3A_299 = arith.constant 256 : i32
        %eq3A_300 = arith.constant 0 : i32
        %eq3A_301 = arith.cmpi eq, %jit3A_299, %eq3A_300 : i32
        %jit3A_302 = arith.constant 1 : i32
        %select_n3A_303 = arith.select %eq3A_301, %jit3A_302, %jit3A_299 : i32
        %rem3A_304 = arith.remsi %add3A_182, %select_n3A_303 : i32
        %ne3A_305 = arith.constant 0 : i32
        %ne3A_306 = arith.cmpi ne, %rem3A_304, %ne3A_305 : i32
        %lt3A_307 = arith.constant 0 : i32
        %lt3A_308 = arith.cmpi slt, %rem3A_304, %lt3A_307 : i32
        %lt3A_309 = arith.constant 0 : i32
        %lt3A_310 = arith.cmpi slt, %select_n3A_303, %lt3A_309 : i32
        %ne3A_311 = arith.xori %lt3A_308, %lt3A_310 : i1
        %and3A_312 = arith.andi %ne3A_311, %ne3A_306 : i1
        %add3A_313 = arith.addi %rem3A_304, %select_n3A_303 : i32
        %select_n3A_314 = arith.select %and3A_312, %add3A_313, %rem3A_304 : i32
        %ne3A_315 = arith.cmpi ne, %select_n3A_298, %select_n3A_314 : i32
        %or3A_316 = arith.constant false
        %or3A_317 = arith.ori %or3A_316, %ne3A_315 : i1
        %or3A_318 = arith.constant false
        %or3A_319 = arith.ori %or3A_317, %or3A_318 : i1
        %or3A_320 = arith.ori %or3A_319, %eq3A_170 : i1
        %convert_element_type3A_321 = arith.extui %or3A_320 : i1 to i32
        %cond3A_322 = arith.constant 0 : i32
        %cond3A_323 = arith.cmpi ne, %convert_element_type3A_321, %cond3A_322 : i32
        scf.if %cond3A_323 {
          %jit3A_579 = arith.constant 256 : i32
          "tpu.trace_start"() <{level = 10 : i32, message = "ep_wait_in"}> : () -> ()
          %eq3A_580 = arith.constant 0 : i32
          %eq3A_581 = arith.cmpi eq, %jit3A_579, %eq3A_580 : i32
          %jit3A_582 = arith.constant 1 : i32
          %select_n3A_583 = arith.select %eq3A_581, %jit3A_582, %jit3A_579 : i32
          %rem3A_584 = arith.remsi %add3A_173, %select_n3A_583 : i32
          %ne3A_585 = arith.constant 0 : i32
          %ne3A_586 = arith.cmpi ne, %rem3A_584, %ne3A_585 : i32
          %lt3A_587 = arith.constant 0 : i32
          %lt3A_588 = arith.cmpi slt, %rem3A_584, %lt3A_587 : i32
          %lt3A_589 = arith.constant 0 : i32
          %lt3A_590 = arith.cmpi slt, %select_n3A_583, %lt3A_589 : i32
          %ne3A_591 = arith.xori %lt3A_588, %lt3A_590 : i1
          %and3A_592 = arith.andi %ne3A_591, %ne3A_586 : i1
          %add3A_593 = arith.addi %rem3A_584, %select_n3A_583 : i32
          %select_n3A_594 = arith.select %and3A_592, %add3A_593, %rem3A_584 : i32
          %mul3A_595 = arith.constant 8 : i32
          %mul3A_596 = arith.muli %mul3A_595, %select_n3A_594 : i32
          %rem3A_597 = arith.constant 2 : i32
          %rem3A_598 = arith.remui %scan3A_165, %rem3A_597 : i32
          %dma_wait3A_599 = arith.constant 0 : i32
          %dma_wait3A_600 = arith.constant 0 : i32
          %dma_wait3A_601 = tpu.memref_slice %run_scoped3A_8[%rem3A_598, %dma_wait3A_599, %dma_wait3A_600] : memref<2x8x1024xf32, #tpu.memory_space<vmem>> -> memref<1x8x1024xf32, #tpu.memory_space<vmem>>
          %dma_wait3A_602 = tpu.memref_squeeze %dma_wait3A_601 : memref<1x8x1024xf32, #tpu.memory_space<vmem>> -> memref<8x1024xf32, #tpu.memory_space<vmem>>
          %dma_wait3A_603 = arith.constant 0 : i32
          %dma_wait3A_604 = tpu.memref_slice %arg3[%mul3A_596, %dma_wait3A_603] : memref<2048x1024xf32, #tpu.memory_space<hbm>> -> memref<8x1024xf32, #tpu.memory_space<hbm>>
          %dma_wait3A_605 = tpu.memref_slice %run_scoped3A_9[%rem3A_598] : memref<2x!tpu.dma_semaphore, #tpu.memory_space<semaphore_mem>> -> memref<1x!tpu.dma_semaphore, #tpu.memory_space<semaphore_mem>>
          %dma_wait3A_606 = tpu.memref_squeeze %dma_wait3A_605 : memref<1x!tpu.dma_semaphore, #tpu.memory_space<semaphore_mem>> -> memref<!tpu.dma_semaphore, #tpu.memory_space<semaphore_mem>>
          %dma_wait3A_607 = arith.constant 0 : i32
          %dma_wait3A_608 = arith.constant 0 : i32
          %dma_wait3A_609 = tpu.memref_slice %run_scoped3A_8[%rem3A_598, %dma_wait3A_607, %dma_wait3A_608] : memref<2x8x1024xf32, #tpu.memory_space<vmem>> -> memref<1x8x1024xf32, #tpu.memory_space<vmem>>
          %dma_wait3A_610 = tpu.memref_squeeze %dma_wait3A_609 : memref<1x8x1024xf32, #tpu.memory_space<vmem>> -> memref<8x1024xf32, #tpu.memory_space<vmem>>
          %dma_wait3A_611 = arith.constant 0 : i32
          %dma_wait3A_612 = tpu.memref_slice %arg3[%mul3A_596, %dma_wait3A_611] : memref<2048x1024xf32, #tpu.memory_space<hbm>> -> memref<8x1024xf32, #tpu.memory_space<hbm>>
          tpu.wait_dma2 semaphore(%dma_wait3A_606 : memref<!tpu.dma_semaphore, #tpu.memory_space<semaphore_mem>>) src(%dma_wait3A_612 : memref<8x1024xf32, #tpu.memory_space<hbm>>) dst(%dma_wait3A_610 : memref<8x1024xf32, #tpu.memory_space<vmem>>)
          "tpu.trace_stop"() : () -> ()
        } else {
        }
        %ne3A_324 = arith.cmpi ne, %add3A_173, %add3A_182 : i32
        %or3A_325 = arith.constant false
        %or3A_326 = arith.ori %or3A_325, %ne3A_324 : i1
        %or3A_327 = arith.constant false
        %or3A_328 = arith.ori %or3A_326, %or3A_327 : i1
        %or3A_329 = arith.ori %or3A_328, %eq3A_170 : i1
        %convert_element_type3A_330 = arith.extui %or3A_329 : i1 to i32
        %cond3A_331 = arith.constant 0 : i32
        %cond3A_332 = arith.cmpi ne, %convert_element_type3A_330, %cond3A_331 : i32
        scf.if %cond3A_332 {
        } else {
        }
        %rem3A_333 = arith.constant 2 : i32
        %rem3A_334 = arith.remui %scan3A_163, %rem3A_333 : i32
        %rem3A_335 = arith.constant 2 : i32
        %rem3A_336 = arith.remui %scan3A_165, %rem3A_335 : i32
        %rem3A_337 = arith.constant 2 : i32
        %rem3A_338 = arith.remui %scan3A_166, %rem3A_337 : i32
        "tpu.trace_start"() <{level = 10 : i32, message = "ep_run_kernel"}> : () -> ()
        %scan3A_339 = arith.constant 0 : i32
        %scan3A_340 = arith.constant 64 : i32
        %scan3A_341 = arith.addi %scan3A_339, %scan3A_340 : i32
        %scan3A_342 = arith.constant 1 : i32
        scf.for %scan3A_579 = %scan3A_339 to %scan3A_341 step %scan3A_342  : i32 {
          %mul3A_580 = arith.constant 16 : i32
          %mul3A_581 = arith.muli %scan3A_579, %mul3A_580 : i32
          %add3A_582 = arith.constant 0 : i32
          %add3A_583 = arith.addi %add3A_582, %mul3A_581 : i32
          %get3A = arith.constant 0 : i32
          %get3A_584 = arith.constant 0 : i32
          %get3A_585 = arith.constant 0 : i32
          %get3A_586 = tpu.memref_slice %run_scoped3A[%rem3A_334, %get3A_584, %get3A_585] : memref<2x8x1024xf32, #tpu.memory_space<vmem>> -> memref<1x8x1024xf32, #tpu.memory_space<vmem>>
          %get3A_587 = tpu.memref_squeeze %get3A_586 : memref<1x8x1024xf32, #tpu.memory_space<vmem>> -> memref<8x1024xf32, #tpu.memory_space<vmem>>
          %get3A_588 = arith.index_cast %get3A : i32 to index
          %get3A_589 = arith.index_cast %add3A_583 : i32 to index
          %get3A_590 = tpu.vector_load %get3A_587[%get3A_588, %get3A_589] {strides = array<i32>} : memref<8x1024xf32, #tpu.memory_space<vmem>>, vector<1x16xf32>,
          %get3A_591 = vector.shape_cast %get3A_590 : vector<1x16xf32> to vector<16xf32>
          %get3A_592 = arith.constant 0 : i32
          %get3A_593 = arith.constant 0 : i32
          %get3A_594 = arith.constant 0 : i32
          %get3A_595 = tpu.memref_slice %run_scoped3A_8[%rem3A_336, %get3A_593, %get3A_594] : memref<2x8x1024xf32, #tpu.memory_space<vmem>> -> memref<1x8x1024xf32, #tpu.memory_space<vmem>>
          %get3A_596 = tpu.memref_squeeze %get3A_595 : memref<1x8x1024xf32, #tpu.memory_space<vmem>> -> memref<8x1024xf32, #tpu.memory_space<vmem>>
          %get3A_597 = arith.index_cast %get3A_592 : i32 to index
          %get3A_598 = arith.index_cast %add3A_583 : i32 to index
          %get3A_599 = tpu.vector_load %get3A_596[%get3A_597, %get3A_598] {strides = array<i32>} : memref<8x1024xf32, #tpu.memory_space<vmem>>, vector<1x16xf32>,
          %get3A_600 = vector.shape_cast %get3A_599 : vector<1x16xf32> to vector<16xf32>
          %add3A_601 = arith.addf %get3A_591, %get3A_600 : vector<16xf32>
          %swap3A = arith.constant 0 : i32
          %swap3A_602 = arith.constant 0 : i32
          %swap3A_603 = arith.constant 0 : i32
          %swap3A_604 = tpu.memref_slice %run_scoped3A_10[%rem3A_338, %swap3A_602, %swap3A_603] : memref<2x8x1024xf32, #tpu.memory_space<vmem>> -> memref<1x8x1024xf32, #tpu.memory_space<vmem>>
          %swap3A_605 = tpu.memref_squeeze %swap3A_604 : memref<1x8x1024xf32, #tpu.memory_space<vmem>> -> memref<8x1024xf32, #tpu.memory_space<vmem>>
          %swap3A_606 = arith.index_cast %swap3A : i32 to index
          %swap3A_607 = arith.index_cast %add3A_583 : i32 to index
          %swap3A_608 = tpu.vector_load %swap3A_605[%swap3A_606, %swap3A_607] {strides = array<i32>} : memref<8x1024xf32, #tpu.memory_space<vmem>>, vector<1x16xf32>,
          %swap3A_609 = vector.shape_cast %swap3A_608 : vector<1x16xf32> to vector<16xf32>
          %swap3A_610 = vector.shape_cast %add3A_601 : vector<16xf32> to vector<1x16xf32>
          tpu.vector_store %swap3A_605[%swap3A_606, %swap3A_607], %swap3A_610 {strides = array<i32>} : memref<8x1024xf32, #tpu.memory_space<vmem>>, vector<1x16xf32>,
        }
        %scan3A_343 = arith.constant 64 : i32
        %scan3A_344 = arith.constant 0 : i32
        %scan3A_345 = arith.constant 64 : i32
        %scan3A_346 = arith.addi %scan3A_344, %scan3A_345 : i32
        %scan3A_347 = arith.constant 1 : i32
        scf.for %scan3A_579 = %scan3A_344 to %scan3A_346 step %scan3A_347  : i32 {
          %mul3A_580 = arith.constant 16 : i32
          %mul3A_581 = arith.muli %scan3A_579, %mul3A_580 : i32
          %add3A_582 = arith.constant 0 : i32
          %add3A_583 = arith.addi %add3A_582, %mul3A_581 : i32
          %get3A = arith.constant 1 : i32
          %get3A_584 = arith.constant 0 : i32
          %get3A_585 = arith.constant 0 : i32
          %get3A_586 = tpu.memref_slice %run_scoped3A[%rem3A_334, %get3A_584, %get3A_585] : memref<2x8x1024xf32, #tpu.memory_space<vmem>> -> memref<1x8x1024xf32, #tpu.memory_space<vmem>>
          %get3A_587 = tpu.memref_squeeze %get3A_586 : memref<1x8x1024xf32, #tpu.memory_space<vmem>> -> memref<8x1024xf32, #tpu.memory_space<vmem>>
          %get3A_588 = arith.index_cast %get3A : i32 to index
          %get3A_589 = arith.index_cast %add3A_583 : i32 to index
          %get3A_590 = tpu.vector_load %get3A_587[%get3A_588, %get3A_589] {strides = array<i32>} : memref<8x1024xf32, #tpu.memory_space<vmem>>, vector<1x16xf32>,
          %get3A_591 = vector.shape_cast %get3A_590 : vector<1x16xf32> to vector<16xf32>
          %get3A_592 = arith.constant 1 : i32
          %get3A_593 = arith.constant 0 : i32
          %get3A_594 = arith.constant 0 : i32
          %get3A_595 = tpu.memref_slice %run_scoped3A_8[%rem3A_336, %get3A_593, %get3A_594] : memref<2x8x1024xf32, #tpu.memory_space<vmem>> -> memref<1x8x1024xf32, #tpu.memory_space<vmem>>
          %get3A_596 = tpu.memref_squeeze %get3A_595 : memref<1x8x1024xf32, #tpu.memory_space<vmem>> -> memref<8x1024xf32, #tpu.memory_space<vmem>>
          %get3A_597 = arith.index_cast %get3A_592 : i32 to index
          %get3A_598 = arith.index_cast %add3A_583 : i32 to index
          %get3A_599 = tpu.vector_load %get3A_596[%get3A_597, %get3A_598] {strides = array<i32>} : memref<8x1024xf32, #tpu.memory_space<vmem>>, vector<1x16xf32>,
          %get3A_600 = vector.shape_cast %get3A_599 : vector<1x16xf32> to vector<16xf32>
          %add3A_601 = arith.addf %get3A_591, %get3A_600 : vector<16xf32>
          %swap3A = arith.constant 1 : i32
          %swap3A_602 = arith.constant 0 : i32
          %swap3A_603 = arith.constant 0 : i32
          %swap3A_604 = tpu.memref_slice %run_scoped3A_10[%rem3A_338, %swap3A_602, %swap3A_603] : memref<2x8x1024xf32, #tpu.memory_space<vmem>> -> memref<1x8x1024xf32, #tpu.memory_space<vmem>>
          %swap3A_605 = tpu.memref_squeeze %swap3A_604 : memref<1x8x1024xf32, #tpu.memory_space<vmem>> -> memref<8x1024xf32, #tpu.memory_space<vmem>>
          %swap3A_606 = arith.index_cast %swap3A : i32 to index
          %swap3A_607 = arith.index_cast %add3A_583 : i32 to index
          %swap3A_608 = tpu.vector_load %swap3A_605[%swap3A_606, %swap3A_607] {strides = array<i32>} : memref<8x1024xf32, #tpu.memory_space<vmem>>, vector<1x16xf32>,
          %swap3A_609 = vector.shape_cast %swap3A_608 : vector<1x16xf32> to vector<16xf32>
          %swap3A_610 = vector.shape_cast %add3A_601 : vector<16xf32> to vector<1x16xf32>
          tpu.vector_store %swap3A_605[%swap3A_606, %swap3A_607], %swap3A_610 {strides = array<i32>} : memref<8x1024xf32, #tpu.memory_space<vmem>>, vector<1x16xf32>,
        }
        %scan3A_348 = arith.constant 64 : i32
        %scan3A_349 = arith.constant 0 : i32
        %scan3A_350 = arith.constant 64 : i32
        %scan3A_351 = arith.addi %scan3A_349, %scan3A_350 : i32
        %scan3A_352 = arith.constant 1 : i32
        scf.for %scan3A_579 = %scan3A_349 to %scan3A_351 step %scan3A_352  : i32 {
          %mul3A_580 = arith.constant 16 : i32
          %mul3A_581 = arith.muli %scan3A_579, %mul3A_580 : i32
          %add3A_582 = arith.constant 0 : i32
          %add3A_583 = arith.addi %add3A_582, %mul3A_581 : i32
          %get3A = arith.constant 2 : i32
          %get3A_584 = arith.constant 0 : i32
          %get3A_585 = arith.constant 0 : i32
          %get3A_586 = tpu.memref_slice %run_scoped3A[%rem3A_334, %get3A_584, %get3A_585] : memref<2x8x1024xf32, #tpu.memory_space<vmem>> -> memref<1x8x1024xf32, #tpu.memory_space<vmem>>
          %get3A_587 = tpu.memref_squeeze %get3A_586 : memref<1x8x1024xf32, #tpu.memory_space<vmem>> -> memref<8x1024xf32, #tpu.memory_space<vmem>>
          %get3A_588 = arith.index_cast %get3A : i32 to index
          %get3A_589 = arith.index_cast %add3A_583 : i32 to index
          %get3A_590 = tpu.vector_load %get3A_587[%get3A_588, %get3A_589] {strides = array<i32>} : memref<8x1024xf32, #tpu.memory_space<vmem>>, vector<1x16xf32>,
          %get3A_591 = vector.shape_cast %get3A_590 : vector<1x16xf32> to vector<16xf32>
          %get3A_592 = arith.constant 2 : i32
          %get3A_593 = arith.constant 0 : i32
          %get3A_594 = arith.constant 0 : i32
          %get3A_595 = tpu.memref_slice %run_scoped3A_8[%rem3A_336, %get3A_593, %get3A_594] : memref<2x8x1024xf32, #tpu.memory_space<vmem>> -> memref<1x8x1024xf32, #tpu.memory_space<vmem>>
          %get3A_596 = tpu.memref_squeeze %get3A_595 : memref<1x8x1024xf32, #tpu.memory_space<vmem>> -> memref<8x1024xf32, #tpu.memory_space<vmem>>
          %get3A_597 = arith.index_cast %get3A_592 : i32 to index
          %get3A_598 = arith.index_cast %add3A_583 : i32 to index
          %get3A_599 = tpu.vector_load %get3A_596[%get3A_597, %get3A_598] {strides = array<i32>} : memref<8x1024xf32, #tpu.memory_space<vmem>>, vector<1x16xf32>,
          %get3A_600 = vector.shape_cast %get3A_599 : vector<1x16xf32> to vector<16xf32>
          %add3A_601 = arith.addf %get3A_591, %get3A_600 : vector<16xf32>
          %swap3A = arith.constant 2 : i32
          %swap3A_602 = arith.constant 0 : i32
          %swap3A_603 = arith.constant 0 : i32
          %swap3A_604 = tpu.memref_slice %run_scoped3A_10[%rem3A_338, %swap3A_602, %swap3A_603] : memref<2x8x1024xf32, #tpu.memory_space<vmem>> -> memref<1x8x1024xf32, #tpu.memory_space<vmem>>
          %swap3A_605 = tpu.memref_squeeze %swap3A_604 : memref<1x8x1024xf32, #tpu.memory_space<vmem>> -> memref<8x1024xf32, #tpu.memory_space<vmem>>
          %swap3A_606 = arith.index_cast %swap3A : i32 to index
          %swap3A_607 = arith.index_cast %add3A_583 : i32 to index
          %swap3A_608 = tpu.vector_load %swap3A_605[%swap3A_606, %swap3A_607] {strides = array<i32>} : memref<8x1024xf32, #tpu.memory_space<vmem>>, vector<1x16xf32>,
          %swap3A_609 = vector.shape_cast %swap3A_608 : vector<1x16xf32> to vector<16xf32>
          %swap3A_610 = vector.shape_cast %add3A_601 : vector<16xf32> to vector<1x16xf32>
          tpu.vector_store %swap3A_605[%swap3A_606, %swap3A_607], %swap3A_610 {strides = array<i32>} : memref<8x1024xf32, #tpu.memory_space<vmem>>, vector<1x16xf32>,
        }
        %scan3A_353 = arith.constant 64 : i32
        %scan3A_354 = arith.constant 0 : i32
        %scan3A_355 = arith.constant 64 : i32
        %scan3A_356 = arith.addi %scan3A_354, %scan3A_355 : i32
        %scan3A_357 = arith.constant 1 : i32
        scf.for %scan3A_579 = %scan3A_354 to %scan3A_356 step %scan3A_357  : i32 {
          %mul3A_580 = arith.constant 16 : i32
          %mul3A_581 = arith.muli %scan3A_579, %mul3A_580 : i32
          %add3A_582 = arith.constant 0 : i32
          %add3A_583 = arith.addi %add3A_582, %mul3A_581 : i32
          %get3A = arith.constant 3 : i32
          %get3A_584 = arith.constant 0 : i32
          %get3A_585 = arith.constant 0 : i32
          %get3A_586 = tpu.memref_slice %run_scoped3A[%rem3A_334, %get3A_584, %get3A_585] : memref<2x8x1024xf32, #tpu.memory_space<vmem>> -> memref<1x8x1024xf32, #tpu.memory_space<vmem>>
          %get3A_587 = tpu.memref_squeeze %get3A_586 : memref<1x8x1024xf32, #tpu.memory_space<vmem>> -> memref<8x1024xf32, #tpu.memory_space<vmem>>
          %get3A_588 = arith.index_cast %get3A : i32 to index
          %get3A_589 = arith.index_cast %add3A_583 : i32 to index
          %get3A_590 = tpu.vector_load %get3A_587[%get3A_588, %get3A_589] {strides = array<i32>} : memref<8x1024xf32, #tpu.memory_space<vmem>>, vector<1x16xf32>,
          %get3A_591 = vector.shape_cast %get3A_590 : vector<1x16xf32> to vector<16xf32>
          %get3A_592 = arith.constant 3 : i32
          %get3A_593 = arith.constant 0 : i32
          %get3A_594 = arith.constant 0 : i32
          %get3A_595 = tpu.memref_slice %run_scoped3A_8[%rem3A_336, %get3A_593, %get3A_594] : memref<2x8x1024xf32, #tpu.memory_space<vmem>> -> memref<1x8x1024xf32, #tpu.memory_space<vmem>>
          %get3A_596 = tpu.memref_squeeze %get3A_595 : memref<1x8x1024xf32, #tpu.memory_space<vmem>> -> memref<8x1024xf32, #tpu.memory_space<vmem>>
          %get3A_597 = arith.index_cast %get3A_592 : i32 to index
          %get3A_598 = arith.index_cast %add3A_583 : i32 to index
          %get3A_599 = tpu.vector_load %get3A_596[%get3A_597, %get3A_598] {strides = array<i32>} : memref<8x1024xf32, #tpu.memory_space<vmem>>, vector<1x16xf32>,
          %get3A_600 = vector.shape_cast %get3A_599 : vector<1x16xf32> to vector<16xf32>
          %add3A_601 = arith.addf %get3A_591, %get3A_600 : vector<16xf32>
          %swap3A = arith.constant 3 : i32
          %swap3A_602 = arith.constant 0 : i32
          %swap3A_603 = arith.constant 0 : i32
          %swap3A_604 = tpu.memref_slice %run_scoped3A_10[%rem3A_338, %swap3A_602, %swap3A_603] : memref<2x8x1024xf32, #tpu.memory_space<vmem>> -> memref<1x8x1024xf32, #tpu.memory_space<vmem>>
          %swap3A_605 = tpu.memref_squeeze %swap3A_604 : memref<1x8x1024xf32, #tpu.memory_space<vmem>> -> memref<8x1024xf32, #tpu.memory_space<vmem>>
          %swap3A_606 = arith.index_cast %swap3A : i32 to index
          %swap3A_607 = arith.index_cast %add3A_583 : i32 to index
          %swap3A_608 = tpu.vector_load %swap3A_605[%swap3A_606, %swap3A_607] {strides = array<i32>} : memref<8x1024xf32, #tpu.memory_space<vmem>>, vector<1x16xf32>,
          %swap3A_609 = vector.shape_cast %swap3A_608 : vector<1x16xf32> to vector<16xf32>
          %swap3A_610 = vector.shape_cast %add3A_601 : vector<16xf32> to vector<1x16xf32>
          tpu.vector_store %swap3A_605[%swap3A_606, %swap3A_607], %swap3A_610 {strides = array<i32>} : memref<8x1024xf32, #tpu.memory_space<vmem>>, vector<1x16xf32>,
        }
        %scan3A_358 = arith.constant 64 : i32
        %scan3A_359 = arith.constant 0 : i32
        %scan3A_360 = arith.constant 64 : i32
        %scan3A_361 = arith.addi %scan3A_359, %scan3A_360 : i32
        %scan3A_362 = arith.constant 1 : i32
        scf.for %scan3A_579 = %scan3A_359 to %scan3A_361 step %scan3A_362  : i32 {
          %mul3A_580 = arith.constant 16 : i32
          %mul3A_581 = arith.muli %scan3A_579, %mul3A_580 : i32
          %add3A_582 = arith.constant 0 : i32
          %add3A_583 = arith.addi %add3A_582, %mul3A_581 : i32
          %get3A = arith.constant 4 : i32
          %get3A_584 = arith.constant 0 : i32
          %get3A_585 = arith.constant 0 : i32
          %get3A_586 = tpu.memref_slice %run_scoped3A[%rem3A_334, %get3A_584, %get3A_585] : memref<2x8x1024xf32, #tpu.memory_space<vmem>> -> memref<1x8x1024xf32, #tpu.memory_space<vmem>>
          %get3A_587 = tpu.memref_squeeze %get3A_586 : memref<1x8x1024xf32, #tpu.memory_space<vmem>> -> memref<8x1024xf32, #tpu.memory_space<vmem>>
          %get3A_588 = arith.index_cast %get3A : i32 to index
          %get3A_589 = arith.index_cast %add3A_583 : i32 to index
          %get3A_590 = tpu.vector_load %get3A_587[%get3A_588, %get3A_589] {strides = array<i32>} : memref<8x1024xf32, #tpu.memory_space<vmem>>, vector<1x16xf32>,
          %get3A_591 = vector.shape_cast %get3A_590 : vector<1x16xf32> to vector<16xf32>
          %get3A_592 = arith.constant 4 : i32
          %get3A_593 = arith.constant 0 : i32
          %get3A_594 = arith.constant 0 : i32
          %get3A_595 = tpu.memref_slice %run_scoped3A_8[%rem3A_336, %get3A_593, %get3A_594] : memref<2x8x1024xf32, #tpu.memory_space<vmem>> -> memref<1x8x1024xf32, #tpu.memory_space<vmem>>
          %get3A_596 = tpu.memref_squeeze %get3A_595 : memref<1x8x1024xf32, #tpu.memory_space<vmem>> -> memref<8x1024xf32, #tpu.memory_space<vmem>>
          %get3A_597 = arith.index_cast %get3A_592 : i32 to index
          %get3A_598 = arith.index_cast %add3A_583 : i32 to index
          %get3A_599 = tpu.vector_load %get3A_596[%get3A_597, %get3A_598] {strides = array<i32>} : memref<8x1024xf32, #tpu.memory_space<vmem>>, vector<1x16xf32>,
          %get3A_600 = vector.shape_cast %get3A_599 : vector<1x16xf32> to vector<16xf32>
          %add3A_601 = arith.addf %get3A_591, %get3A_600 : vector<16xf32>
          %swap3A = arith.constant 4 : i32
          %swap3A_602 = arith.constant 0 : i32
          %swap3A_603 = arith.constant 0 : i32
          %swap3A_604 = tpu.memref_slice %run_scoped3A_10[%rem3A_338, %swap3A_602, %swap3A_603] : memref<2x8x1024xf32, #tpu.memory_space<vmem>> -> memref<1x8x1024xf32, #tpu.memory_space<vmem>>
          %swap3A_605 = tpu.memref_squeeze %swap3A_604 : memref<1x8x1024xf32, #tpu.memory_space<vmem>> -> memref<8x1024xf32, #tpu.memory_space<vmem>>
          %swap3A_606 = arith.index_cast %swap3A : i32 to index
          %swap3A_607 = arith.index_cast %add3A_583 : i32 to index
          %swap3A_608 = tpu.vector_load %swap3A_605[%swap3A_606, %swap3A_607] {strides = array<i32>} : memref<8x1024xf32, #tpu.memory_space<vmem>>, vector<1x16xf32>,
          %swap3A_609 = vector.shape_cast %swap3A_608 : vector<1x16xf32> to vector<16xf32>
          %swap3A_610 = vector.shape_cast %add3A_601 : vector<16xf32> to vector<1x16xf32>
          tpu.vector_store %swap3A_605[%swap3A_606, %swap3A_607], %swap3A_610 {strides = array<i32>} : memref<8x1024xf32, #tpu.memory_space<vmem>>, vector<1x16xf32>,
        }
        %scan3A_363 = arith.constant 64 : i32
        %scan3A_364 = arith.constant 0 : i32
        %scan3A_365 = arith.constant 64 : i32
        %scan3A_366 = arith.addi %scan3A_364, %scan3A_365 : i32
        %scan3A_367 = arith.constant 1 : i32
        scf.for %scan3A_579 = %scan3A_364 to %scan3A_366 step %scan3A_367  : i32 {
          %mul3A_580 = arith.constant 16 : i32
          %mul3A_581 = arith.muli %scan3A_579, %mul3A_580 : i32
          %add3A_582 = arith.constant 0 : i32
          %add3A_583 = arith.addi %add3A_582, %mul3A_581 : i32
          %get3A = arith.constant 5 : i32
          %get3A_584 = arith.constant 0 : i32
          %get3A_585 = arith.constant 0 : i32
          %get3A_586 = tpu.memref_slice %run_scoped3A[%rem3A_334, %get3A_584, %get3A_585] : memref<2x8x1024xf32, #tpu.memory_space<vmem>> -> memref<1x8x1024xf32, #tpu.memory_space<vmem>>
          %get3A_587 = tpu.memref_squeeze %get3A_586 : memref<1x8x1024xf32, #tpu.memory_space<vmem>> -> memref<8x1024xf32, #tpu.memory_space<vmem>>
          %get3A_588 = arith.index_cast %get3A : i32 to index
          %get3A_589 = arith.index_cast %add3A_583 : i32 to index
          %get3A_590 = tpu.vector_load %get3A_587[%get3A_588, %get3A_589] {strides = array<i32>} : memref<8x1024xf32, #tpu.memory_space<vmem>>, vector<1x16xf32>,
          %get3A_591 = vector.shape_cast %get3A_590 : vector<1x16xf32> to vector<16xf32>
          %get3A_592 = arith.constant 5 : i32
          %get3A_593 = arith.constant 0 : i32
          %get3A_594 = arith.constant 0 : i32
          %get3A_595 = tpu.memref_slice %run_scoped3A_8[%rem3A_336, %get3A_593, %get3A_594] : memref<2x8x1024xf32, #tpu.memory_space<vmem>> -> memref<1x8x1024xf32, #tpu.memory_space<vmem>>
          %get3A_596 = tpu.memref_squeeze %get3A_595 : memref<1x8x1024xf32, #tpu.memory_space<vmem>> -> memref<8x1024xf32, #tpu.memory_space<vmem>>
          %get3A_597 = arith.index_cast %get3A_592 : i32 to index
          %get3A_598 = arith.index_cast %add3A_583 : i32 to index
          %get3A_599 = tpu.vector_load %get3A_596[%get3A_597, %get3A_598] {strides = array<i32>} : memref<8x1024xf32, #tpu.memory_space<vmem>>, vector<1x16xf32>,
          %get3A_600 = vector.shape_cast %get3A_599 : vector<1x16xf32> to vector<16xf32>
          %add3A_601 = arith.addf %get3A_591, %get3A_600 : vector<16xf32>
          %swap3A = arith.constant 5 : i32
          %swap3A_602 = arith.constant 0 : i32
          %swap3A_603 = arith.constant 0 : i32
          %swap3A_604 = tpu.memref_slice %run_scoped3A_10[%rem3A_338, %swap3A_602, %swap3A_603] : memref<2x8x1024xf32, #tpu.memory_space<vmem>> -> memref<1x8x1024xf32, #tpu.memory_space<vmem>>
          %swap3A_605 = tpu.memref_squeeze %swap3A_604 : memref<1x8x1024xf32, #tpu.memory_space<vmem>> -> memref<8x1024xf32, #tpu.memory_space<vmem>>
          %swap3A_606 = arith.index_cast %swap3A : i32 to index
          %swap3A_607 = arith.index_cast %add3A_583 : i32 to index
          %swap3A_608 = tpu.vector_load %swap3A_605[%swap3A_606, %swap3A_607] {strides = array<i32>} : memref<8x1024xf32, #tpu.memory_space<vmem>>, vector<1x16xf32>,
          %swap3A_609 = vector.shape_cast %swap3A_608 : vector<1x16xf32> to vector<16xf32>
          %swap3A_610 = vector.shape_cast %add3A_601 : vector<16xf32> to vector<1x16xf32>
          tpu.vector_store %swap3A_605[%swap3A_606, %swap3A_607], %swap3A_610 {strides = array<i32>} : memref<8x1024xf32, #tpu.memory_space<vmem>>, vector<1x16xf32>,
        }
        %scan3A_368 = arith.constant 64 : i32
        %scan3A_369 = arith.constant 0 : i32
        %scan3A_370 = arith.constant 64 : i32
        %scan3A_371 = arith.addi %scan3A_369, %scan3A_370 : i32
        %scan3A_372 = arith.constant 1 : i32
        scf.for %scan3A_579 = %scan3A_369 to %scan3A_371 step %scan3A_372  : i32 {
          %mul3A_580 = arith.constant 16 : i32
          %mul3A_581 = arith.muli %scan3A_579, %mul3A_580 : i32
          %add3A_582 = arith.constant 0 : i32
          %add3A_583 = arith.addi %add3A_582, %mul3A_581 : i32
          %get3A = arith.constant 6 : i32
          %get3A_584 = arith.constant 0 : i32
          %get3A_585 = arith.constant 0 : i32
          %get3A_586 = tpu.memref_slice %run_scoped3A[%rem3A_334, %get3A_584, %get3A_585] : memref<2x8x1024xf32, #tpu.memory_space<vmem>> -> memref<1x8x1024xf32, #tpu.memory_space<vmem>>
          %get3A_587 = tpu.memref_squeeze %get3A_586 : memref<1x8x1024xf32, #tpu.memory_space<vmem>> -> memref<8x1024xf32, #tpu.memory_space<vmem>>
          %get3A_588 = arith.index_cast %get3A : i32 to index
          %get3A_589 = arith.index_cast %add3A_583 : i32 to index
          %get3A_590 = tpu.vector_load %get3A_587[%get3A_588, %get3A_589] {strides = array<i32>} : memref<8x1024xf32, #tpu.memory_space<vmem>>, vector<1x16xf32>,
          %get3A_591 = vector.shape_cast %get3A_590 : vector<1x16xf32> to vector<16xf32>
          %get3A_592 = arith.constant 6 : i32
          %get3A_593 = arith.constant 0 : i32
          %get3A_594 = arith.constant 0 : i32
          %get3A_595 = tpu.memref_slice %run_scoped3A_8[%rem3A_336, %get3A_593, %get3A_594] : memref<2x8x1024xf32, #tpu.memory_space<vmem>> -> memref<1x8x1024xf32, #tpu.memory_space<vmem>>
          %get3A_596 = tpu.memref_squeeze %get3A_595 : memref<1x8x1024xf32, #tpu.memory_space<vmem>> -> memref<8x1024xf32, #tpu.memory_space<vmem>>
          %get3A_597 = arith.index_cast %get3A_592 : i32 to index
          %get3A_598 = arith.index_cast %add3A_583 : i32 to index
          %get3A_599 = tpu.vector_load %get3A_596[%get3A_597, %get3A_598] {strides = array<i32>} : memref<8x1024xf32, #tpu.memory_space<vmem>>, vector<1x16xf32>,
          %get3A_600 = vector.shape_cast %get3A_599 : vector<1x16xf32> to vector<16xf32>
          %add3A_601 = arith.addf %get3A_591, %get3A_600 : vector<16xf32>
          %swap3A = arith.constant 6 : i32
          %swap3A_602 = arith.constant 0 : i32
          %swap3A_603 = arith.constant 0 : i32
          %swap3A_604 = tpu.memref_slice %run_scoped3A_10[%rem3A_338, %swap3A_602, %swap3A_603] : memref<2x8x1024xf32, #tpu.memory_space<vmem>> -> memref<1x8x1024xf32, #tpu.memory_space<vmem>>
          %swap3A_605 = tpu.memref_squeeze %swap3A_604 : memref<1x8x1024xf32, #tpu.memory_space<vmem>> -> memref<8x1024xf32, #tpu.memory_space<vmem>>
          %swap3A_606 = arith.index_cast %swap3A : i32 to index
          %swap3A_607 = arith.index_cast %add3A_583 : i32 to index
          %swap3A_608 = tpu.vector_load %swap3A_605[%swap3A_606, %swap3A_607] {strides = array<i32>} : memref<8x1024xf32, #tpu.memory_space<vmem>>, vector<1x16xf32>,
          %swap3A_609 = vector.shape_cast %swap3A_608 : vector<1x16xf32> to vector<16xf32>
          %swap3A_610 = vector.shape_cast %add3A_601 : vector<16xf32> to vector<1x16xf32>
          tpu.vector_store %swap3A_605[%swap3A_606, %swap3A_607], %swap3A_610 {strides = array<i32>} : memref<8x1024xf32, #tpu.memory_space<vmem>>, vector<1x16xf32>,
        }
        %scan3A_373 = arith.constant 64 : i32
        %scan3A_374 = arith.constant 0 : i32
        %scan3A_375 = arith.constant 64 : i32
        %scan3A_376 = arith.addi %scan3A_374, %scan3A_375 : i32
        %scan3A_377 = arith.constant 1 : i32
        scf.for %scan3A_579 = %scan3A_374 to %scan3A_376 step %scan3A_377  : i32 {
          %mul3A_580 = arith.constant 16 : i32
          %mul3A_581 = arith.muli %scan3A_579, %mul3A_580 : i32
          %add3A_582 = arith.constant 0 : i32
          %add3A_583 = arith.addi %add3A_582, %mul3A_581 : i32
          %get3A = arith.constant 7 : i32
          %get3A_584 = arith.constant 0 : i32
          %get3A_585 = arith.constant 0 : i32
          %get3A_586 = tpu.memref_slice %run_scoped3A[%rem3A_334, %get3A_584, %get3A_585] : memref<2x8x1024xf32, #tpu.memory_space<vmem>> -> memref<1x8x1024xf32, #tpu.memory_space<vmem>>
          %get3A_587 = tpu.memref_squeeze %get3A_586 : memref<1x8x1024xf32, #tpu.memory_space<vmem>> -> memref<8x1024xf32, #tpu.memory_space<vmem>>
          %get3A_588 = arith.index_cast %get3A : i32 to index
          %get3A_589 = arith.index_cast %add3A_583 : i32 to index
          %get3A_590 = tpu.vector_load %get3A_587[%get3A_588, %get3A_589] {strides = array<i32>} : memref<8x1024xf32, #tpu.memory_space<vmem>>, vector<1x16xf32>,
          %get3A_591 = vector.shape_cast %get3A_590 : vector<1x16xf32> to vector<16xf32>
          %get3A_592 = arith.constant 7 : i32
          %get3A_593 = arith.constant 0 : i32
          %get3A_594 = arith.constant 0 : i32
          %get3A_595 = tpu.memref_slice %run_scoped3A_8[%rem3A_336, %get3A_593, %get3A_594] : memref<2x8x1024xf32, #tpu.memory_space<vmem>> -> memref<1x8x1024xf32, #tpu.memory_space<vmem>>
          %get3A_596 = tpu.memref_squeeze %get3A_595 : memref<1x8x1024xf32, #tpu.memory_space<vmem>> -> memref<8x1024xf32, #tpu.memory_space<vmem>>
          %get3A_597 = arith.index_cast %get3A_592 : i32 to index
          %get3A_598 = arith.index_cast %add3A_583 : i32 to index
          %get3A_599 = tpu.vector_load %get3A_596[%get3A_597, %get3A_598] {strides = array<i32>} : memref<8x1024xf32, #tpu.memory_space<vmem>>, vector<1x16xf32>,
          %get3A_600 = vector.shape_cast %get3A_599 : vector<1x16xf32> to vector<16xf32>
          %add3A_601 = arith.addf %get3A_591, %get3A_600 : vector<16xf32>
          %swap3A = arith.constant 7 : i32
          %swap3A_602 = arith.constant 0 : i32
          %swap3A_603 = arith.constant 0 : i32
          %swap3A_604 = tpu.memref_slice %run_scoped3A_10[%rem3A_338, %swap3A_602, %swap3A_603] : memref<2x8x1024xf32, #tpu.memory_space<vmem>> -> memref<1x8x1024xf32, #tpu.memory_space<vmem>>
          %swap3A_605 = tpu.memref_squeeze %swap3A_604 : memref<1x8x1024xf32, #tpu.memory_space<vmem>> -> memref<8x1024xf32, #tpu.memory_space<vmem>>
          %swap3A_606 = arith.index_cast %swap3A : i32 to index
          %swap3A_607 = arith.index_cast %add3A_583 : i32 to index
          %swap3A_608 = tpu.vector_load %swap3A_605[%swap3A_606, %swap3A_607] {strides = array<i32>} : memref<8x1024xf32, #tpu.memory_space<vmem>>, vector<1x16xf32>,
          %swap3A_609 = vector.shape_cast %swap3A_608 : vector<1x16xf32> to vector<16xf32>
          %swap3A_610 = vector.shape_cast %add3A_601 : vector<16xf32> to vector<1x16xf32>
          tpu.vector_store %swap3A_605[%swap3A_606, %swap3A_607], %swap3A_610 {strides = array<i32>} : memref<8x1024xf32, #tpu.memory_space<vmem>>, vector<1x16xf32>,
        }
        %scan3A_378 = arith.constant 64 : i32
        "tpu.trace_stop"() : () -> ()
        %ne3A_379 = arith.cmpi ne, %add3A_173, %add3A_191 : i32
        %or3A_380 = arith.constant false
        %or3A_381 = arith.ori %or3A_380, %ne3A_379 : i1
        %or3A_382 = arith.constant false
        %or3A_383 = arith.ori %or3A_381, %or3A_382 : i1
        %or3A_384 = arith.ori %or3A_383, %eq3A_172 : i1
        %convert_element_type3A_385 = arith.extui %or3A_384 : i1 to i32
        %cond3A_386 = arith.constant 0 : i32
        %cond3A_387 = arith.cmpi ne, %convert_element_type3A_385, %cond3A_386 : i32
        scf.if %cond3A_387 {
        } else {
        }
        %and3A_388 = arith.constant false
        %and3A_389 = arith.andi %or3A_384, %and3A_388 : i1
        %jit3A_390 = arith.constant 256 : i32
        %eq3A_391 = arith.constant 0 : i32
        %eq3A_392 = arith.cmpi eq, %jit3A_390, %eq3A_391 : i32
        %jit3A_393 = arith.constant 1 : i32
        %select_n3A_394 = arith.select %eq3A_392, %jit3A_393, %jit3A_390 : i32
        %rem3A_395 = arith.remsi %add3A_173, %select_n3A_394 : i32
        %ne3A_396 = arith.constant 0 : i32
        %ne3A_397 = arith.cmpi ne, %rem3A_395, %ne3A_396 : i32
        %lt3A_398 = arith.constant 0 : i32
        %lt3A_399 = arith.cmpi slt, %rem3A_395, %lt3A_398 : i32
        %lt3A_400 = arith.constant 0 : i32
        %lt3A_401 = arith.cmpi slt, %select_n3A_394, %lt3A_400 : i32
        %ne3A_402 = arith.xori %lt3A_399, %lt3A_401 : i1
        %and3A_403 = arith.andi %ne3A_402, %ne3A_397 : i1
        %add3A_404 = arith.addi %rem3A_395, %select_n3A_394 : i32
        %select_n3A_405 = arith.select %and3A_403, %add3A_404, %rem3A_395 : i32
        %jit3A_406 = arith.constant 256 : i32
        %eq3A_407 = arith.constant 0 : i32
        %eq3A_408 = arith.cmpi eq, %jit3A_406, %eq3A_407 : i32
        %jit3A_409 = arith.constant 1 : i32
        %select_n3A_410 = arith.select %eq3A_408, %jit3A_409, %jit3A_406 : i32
        %rem3A_411 = arith.remsi %add3A_191, %select_n3A_410 : i32
        %ne3A_412 = arith.constant 0 : i32
        %ne3A_413 = arith.cmpi ne, %rem3A_411, %ne3A_412 : i32
        %lt3A_414 = arith.constant 0 : i32
        %lt3A_415 = arith.cmpi slt, %rem3A_411, %lt3A_414 : i32
        %lt3A_416 = arith.constant 0 : i32
        %lt3A_417 = arith.cmpi slt, %select_n3A_410, %lt3A_416 : i32
        %ne3A_418 = arith.xori %lt3A_415, %lt3A_417 : i1
        %and3A_419 = arith.andi %ne3A_418, %ne3A_413 : i1
        %add3A_420 = arith.addi %rem3A_411, %select_n3A_410 : i32
        %select_n3A_421 = arith.select %and3A_419, %add3A_420, %rem3A_411 : i32
        %ne3A_422 = arith.cmpi ne, %select_n3A_405, %select_n3A_421 : i32
        %or3A_423 = arith.constant false
        %or3A_424 = arith.ori %or3A_423, %ne3A_422 : i1
        %or3A_425 = arith.constant false
        %or3A_426 = arith.ori %or3A_424, %or3A_425 : i1
        %or3A_427 = arith.ori %or3A_426, %eq3A_172 : i1
        %convert_element_type3A_428 = arith.extui %or3A_427 : i1 to i32
        %cond3A_429 = arith.constant 0 : i32
        %cond3A_430 = arith.cmpi ne, %convert_element_type3A_428, %cond3A_429 : i32
        scf.if %cond3A_430 {
        } else {
        }
        %and3A_431 = arith.constant false
        %and3A_432 = arith.andi %or3A_427, %and3A_431 : i1
        %ne3A_433 = arith.cmpi ne, %add3A_173, %add3A_191 : i32
        %or3A_434 = arith.constant false
        %or3A_435 = arith.ori %or3A_434, %ne3A_433 : i1
        %or3A_436 = arith.constant false
        %or3A_437 = arith.ori %or3A_435, %or3A_436 : i1
        %or3A_438 = arith.ori %or3A_437, %eq3A_172 : i1
        %convert_element_type3A_439 = arith.extui %or3A_438 : i1 to i32
        %cond3A_440 = arith.constant 0 : i32
        %cond3A_441 = arith.cmpi ne, %convert_element_type3A_439, %cond3A_440 : i32
        scf.if %cond3A_441 {
          "tpu.trace_start"() <{level = 10 : i32, message = "ep_copy_out"}> : () -> ()
          %rem3A_579 = arith.constant 2 : i32
          %rem3A_580 = arith.remui %scan3A_166, %rem3A_579 : i32
          %mul3A_581 = arith.constant 8 : i32
          %mul3A_582 = arith.muli %mul3A_581, %add3A_173 : i32
          %dma_start3A_583 = arith.constant 0 : i32
          %dma_start3A_584 = arith.constant 0 : i32
          %dma_start3A_585 = tpu.memref_slice %run_scoped3A_10[%rem3A_580, %dma_start3A_583, %dma_start3A_584] : memref<2x8x1024xf32, #tpu.memory_space<vmem>> -> memref<1x8x1024xf32, #tpu.memory_space<vmem>>
          %dma_start3A_586 = tpu.memref_squeeze %dma_start3A_585 : memref<1x8x1024xf32, #tpu.memory_space<vmem>> -> memref<8x1024xf32, #tpu.memory_space<vmem>>
          %dma_start3A_587 = arith.constant 0 : i32
          %dma_start3A_588 = tpu.memref_slice %arg4[%mul3A_582, %dma_start3A_587] : memref<8192x1024xf32, #tpu.memory_space<hbm>> -> memref<8x1024xf32, #tpu.memory_space<hbm>>
          %dma_start3A_589 = tpu.memref_slice %run_scoped3A_11[%rem3A_580] : memref<2x!tpu.dma_semaphore, #tpu.memory_space<semaphore_mem>> -> memref<1x!tpu.dma_semaphore, #tpu.memory_space<semaphore_mem>>
          %dma_start3A_590 = tpu.memref_squeeze %dma_start3A_589 : memref<1x!tpu.dma_semaphore, #tpu.memory_space<semaphore_mem>> -> memref<!tpu.dma_semaphore, #tpu.memory_space<semaphore_mem>>
          %dma_start3A_591 = arith.constant 0 : i32
          %dma_start3A_592 = tpu.memref_slice %arg4[%mul3A_582, %dma_start3A_591] : memref<8192x1024xf32, #tpu.memory_space<hbm>> -> memref<8x1024xf32, #tpu.memory_space<hbm>>
          %dma_start3A_593 = arith.constant 0 : i32
          %dma_start3A_594 = arith.constant 0 : i32
          %dma_start3A_595 = tpu.memref_slice %run_scoped3A_10[%rem3A_580, %dma_start3A_593, %dma_start3A_594] : memref<2x8x1024xf32, #tpu.memory_space<vmem>> -> memref<1x8x1024xf32, #tpu.memory_space<vmem>>
          %dma_start3A_596 = tpu.memref_squeeze %dma_start3A_595 : memref<1x8x1024xf32, #tpu.memory_space<vmem>> -> memref<8x1024xf32, #tpu.memory_space<vmem>>
          tpu.enqueue_dma source(%dma_start3A_596 : memref<8x1024xf32, #tpu.memory_space<vmem>>) target(%dma_start3A_592 : memref<8x1024xf32, #tpu.memory_space<hbm>>) target_semaphore(%dma_start3A_590 : memref<!tpu.dma_semaphore, #tpu.memory_space<semaphore_mem>>)
          "tpu.trace_stop"() : () -> ()
        } else {
        }
        %and3A_442 = arith.constant true
        %and3A_443 = arith.andi %or3A_438, %and3A_442 : i1
        %add3A_444 = arith.constant 1 : i32
        %add3A_445 = arith.addi %scan3A_166, %add3A_444 : i32
        %select_n3A_446 = arith.select %and3A_443, %add3A_445, %scan3A_166 : i32
        %ne3A_447 = arith.cmpi ne, %add3A_173, %add3A_182 : i32
        %or3A_448 = arith.constant false
        %or3A_449 = arith.ori %or3A_448, %ne3A_447 : i1
        %or3A_450 = arith.constant false
        %or3A_451 = arith.ori %or3A_449, %or3A_450 : i1
        %not3A_452 = arith.constant true
        %not3A_453 = arith.xori %eq3A_170, %not3A_452 : i1
        %and3A_454 = arith.andi %or3A_451, %not3A_453 : i1
        %convert_element_type3A_455 = arith.extui %and3A_454 : i1 to i32
        %cond3A_456 = arith.constant 0 : i32
        %cond3A_457 = arith.cmpi ne, %convert_element_type3A_455, %cond3A_456 : i32
        scf.if %cond3A_457 {
        } else {
        }
        %and3A_458 = arith.constant false
        %and3A_459 = arith.andi %and3A_454, %and3A_458 : i1
        %jit3A_460 = arith.constant 256 : i32
        %eq3A_461 = arith.constant 0 : i32
        %eq3A_462 = arith.cmpi eq, %jit3A_460, %eq3A_461 : i32
        %jit3A_463 = arith.constant 1 : i32
        %select_n3A_464 = arith.select %eq3A_462, %jit3A_463, %jit3A_460 : i32
        %rem3A_465 = arith.remsi %add3A_173, %select_n3A_464 : i32
        %ne3A_466 = arith.constant 0 : i32
        %ne3A_467 = arith.cmpi ne, %rem3A_465, %ne3A_466 : i32
        %lt3A_468 = arith.constant 0 : i32
        %lt3A_469 = arith.cmpi slt, %rem3A_465, %lt3A_468 : i32
        %lt3A_470 = arith.constant 0 : i32
        %lt3A_471 = arith.cmpi slt, %select_n3A_464, %lt3A_470 : i32
        %ne3A_472 = arith.xori %lt3A_469, %lt3A_471 : i1
        %and3A_473 = arith.andi %ne3A_472, %ne3A_467 : i1
        %add3A_474 = arith.addi %rem3A_465, %select_n3A_464 : i32
        %select_n3A_475 = arith.select %and3A_473, %add3A_474, %rem3A_465 : i32
        %jit3A_476 = arith.constant 256 : i32
        %eq3A_477 = arith.constant 0 : i32
        %eq3A_478 = arith.cmpi eq, %jit3A_476, %eq3A_477 : i32
        %jit3A_479 = arith.constant 1 : i32
        %select_n3A_480 = arith.select %eq3A_478, %jit3A_479, %jit3A_476 : i32
        %rem3A_481 = arith.remsi %add3A_182, %select_n3A_480 : i32
        %ne3A_482 = arith.constant 0 : i32
        %ne3A_483 = arith.cmpi ne, %rem3A_481, %ne3A_482 : i32
        %lt3A_484 = arith.constant 0 : i32
        %lt3A_485 = arith.cmpi slt, %rem3A_481, %lt3A_484 : i32
        %lt3A_486 = arith.constant 0 : i32
        %lt3A_487 = arith.cmpi slt, %select_n3A_480, %lt3A_486 : i32
        %ne3A_488 = arith.xori %lt3A_485, %lt3A_487 : i1
        %and3A_489 = arith.andi %ne3A_488, %ne3A_483 : i1
        %add3A_490 = arith.addi %rem3A_481, %select_n3A_480 : i32
        %select_n3A_491 = arith.select %and3A_489, %add3A_490, %rem3A_481 : i32
        %ne3A_492 = arith.cmpi ne, %select_n3A_475, %select_n3A_491 : i32
        %or3A_493 = arith.constant false
        %or3A_494 = arith.ori %or3A_493, %ne3A_492 : i1
        %or3A_495 = arith.constant false
        %or3A_496 = arith.ori %or3A_494, %or3A_495 : i1
        %not3A_497 = arith.constant true
        %not3A_498 = arith.xori %eq3A_170, %not3A_497 : i1
        %and3A_499 = arith.andi %or3A_496, %not3A_498 : i1
        %convert_element_type3A_500 = arith.extui %and3A_499 : i1 to i32
        %cond3A_501 = arith.constant 0 : i32
        %cond3A_502 = arith.cmpi ne, %convert_element_type3A_500, %cond3A_501 : i32
        scf.if %cond3A_502 {
        } else {
        }
        %and3A_503 = arith.constant false
        %and3A_504 = arith.andi %and3A_499, %and3A_503 : i1
        %ne3A_505 = arith.cmpi ne, %add3A_173, %add3A_182 : i32
        %or3A_506 = arith.constant false
        %or3A_507 = arith.ori %or3A_506, %ne3A_505 : i1
        %or3A_508 = arith.constant false
        %or3A_509 = arith.ori %or3A_507, %or3A_508 : i1
        %not3A_510 = arith.constant true
        %not3A_511 = arith.xori %eq3A_170, %not3A_510 : i1
        %and3A_512 = arith.andi %or3A_509, %not3A_511 : i1
        %convert_element_type3A_513 = arith.extui %and3A_512 : i1 to i32
        %cond3A_514 = arith.constant 0 : i32
        %cond3A_515 = arith.cmpi ne, %convert_element_type3A_513, %cond3A_514 : i32
        scf.if %cond3A_515 {
          "tpu.trace_start"() <{level = 10 : i32, message = "ep_wait_out"}> : () -> ()
          %rem3A_579 = arith.constant 2 : i32
          %rem3A_580 = arith.remui %scan3A_167, %rem3A_579 : i32
          %mul3A_581 = arith.constant 8 : i32
          %mul3A_582 = arith.muli %mul3A_581, %add3A_182 : i32
          %dma_wait3A_583 = arith.constant 0 : i32
          %dma_wait3A_584 = arith.constant 0 : i32
          %dma_wait3A_585 = tpu.memref_slice %run_scoped3A_10[%rem3A_580, %dma_wait3A_583, %dma_wait3A_584] : memref<2x8x1024xf32, #tpu.memory_space<vmem>> -> memref<1x8x1024xf32, #tpu.memory_space<vmem>>
          %dma_wait3A_586 = tpu.memref_squeeze %dma_wait3A_585 : memref<1x8x1024xf32, #tpu.memory_space<vmem>> -> memref<8x1024xf32, #tpu.memory_space<vmem>>
          %dma_wait3A_587 = arith.constant 0 : i32
          %dma_wait3A_588 = tpu.memref_slice %arg4[%mul3A_582, %dma_wait3A_587] : memref<8192x1024xf32, #tpu.memory_space<hbm>> -> memref<8x1024xf32, #tpu.memory_space<hbm>>
          %dma_wait3A_589 = tpu.memref_slice %run_scoped3A_11[%rem3A_580] : memref<2x!tpu.dma_semaphore, #tpu.memory_space<semaphore_mem>> -> memref<1x!tpu.dma_semaphore, #tpu.memory_space<semaphore_mem>>
          %dma_wait3A_590 = tpu.memref_squeeze %dma_wait3A_589 : memref<1x!tpu.dma_semaphore, #tpu.memory_space<semaphore_mem>> -> memref<!tpu.dma_semaphore, #tpu.memory_space<semaphore_mem>>
          %dma_wait3A_591 = arith.constant 0 : i32
          %dma_wait3A_592 = tpu.memref_slice %arg4[%mul3A_582, %dma_wait3A_591] : memref<8192x1024xf32, #tpu.memory_space<hbm>> -> memref<8x1024xf32, #tpu.memory_space<hbm>>
          %dma_wait3A_593 = arith.constant 0 : i32
          %dma_wait3A_594 = arith.constant 0 : i32
          %dma_wait3A_595 = tpu.memref_slice %run_scoped3A_10[%rem3A_580, %dma_wait3A_593, %dma_wait3A_594] : memref<2x8x1024xf32, #tpu.memory_space<vmem>> -> memref<1x8x1024xf32, #tpu.memory_space<vmem>>
          %dma_wait3A_596 = tpu.memref_squeeze %dma_wait3A_595 : memref<1x8x1024xf32, #tpu.memory_space<vmem>> -> memref<8x1024xf32, #tpu.memory_space<vmem>>
          tpu.wait_dma2 semaphore(%dma_wait3A_590 : memref<!tpu.dma_semaphore, #tpu.memory_space<semaphore_mem>>) src(%dma_wait3A_596 : memref<8x1024xf32, #tpu.memory_space<vmem>>) dst(%dma_wait3A_592 : memref<8x1024xf32, #tpu.memory_space<hbm>>)
          "tpu.trace_stop"() : () -> ()
        } else {
        }
        %and3A_516 = arith.constant true
        %and3A_517 = arith.andi %and3A_512, %and3A_516 : i1
        %add3A_518 = arith.constant 1 : i32
        %add3A_519 = arith.addi %scan3A_167, %add3A_518 : i32
        %select_n3A_520 = arith.select %and3A_517, %add3A_519, %scan3A_167 : i32
        %ne3A_521 = arith.cmpi ne, %add3A_173, %add3A_191 : i32
        %or3A_522 = arith.constant false
        %or3A_523 = arith.ori %or3A_522, %ne3A_521 : i1
        %or3A_524 = arith.constant false
        %or3A_525 = arith.ori %or3A_523, %or3A_524 : i1
        %or3A_526 = arith.ori %or3A_525, %eq3A_172 : i1
        %add3A_527 = arith.constant 1 : i32
        %add3A_528 = arith.addi %scan3A_163, %add3A_527 : i32
        %select_n3A_529 = arith.select %or3A_526, %add3A_528, %scan3A_163 : i32
        %jit3A_530 = arith.constant 256 : i32
        %eq3A_531 = arith.constant 0 : i32
        %eq3A_532 = arith.cmpi eq, %jit3A_530, %eq3A_531 : i32
        %jit3A_533 = arith.constant 1 : i32
        %select_n3A_534 = arith.select %eq3A_532, %jit3A_533, %jit3A_530 : i32
        %rem3A_535 = arith.remsi %add3A_173, %select_n3A_534 : i32
        %ne3A_536 = arith.constant 0 : i32
        %ne3A_537 = arith.cmpi ne, %rem3A_535, %ne3A_536 : i32
        %lt3A_538 = arith.constant 0 : i32
        %lt3A_539 = arith.cmpi slt, %rem3A_535, %lt3A_538 : i32
        %lt3A_540 = arith.constant 0 : i32
        %lt3A_541 = arith.cmpi slt, %select_n3A_534, %lt3A_540 : i32
        %ne3A_542 = arith.xori %lt3A_539, %lt3A_541 : i1
        %and3A_543 = arith.andi %ne3A_542, %ne3A_537 : i1
        %add3A_544 = arith.addi %rem3A_535, %select_n3A_534 : i32
        %select_n3A_545 = arith.select %and3A_543, %add3A_544, %rem3A_535 : i32
        %jit3A_546 = arith.constant 256 : i32
        %eq3A_547 = arith.constant 0 : i32
        %eq3A_548 = arith.cmpi eq, %jit3A_546, %eq3A_547 : i32
        %jit3A_549 = arith.constant 1 : i32
        %select_n3A_550 = arith.select %eq3A_548, %jit3A_549, %jit3A_546 : i32
        %rem3A_551 = arith.remsi %add3A_191, %select_n3A_550 : i32
        %ne3A_552 = arith.constant 0 : i32
        %ne3A_553 = arith.cmpi ne, %rem3A_551, %ne3A_552 : i32
        %lt3A_554 = arith.constant 0 : i32
        %lt3A_555 = arith.cmpi slt, %rem3A_551, %lt3A_554 : i32
        %lt3A_556 = arith.constant 0 : i32
        %lt3A_557 = arith.cmpi slt, %select_n3A_550, %lt3A_556 : i32
        %ne3A_558 = arith.xori %lt3A_555, %lt3A_557 : i1
        %and3A_559 = arith.andi %ne3A_558, %ne3A_553 : i1
        %add3A_560 = arith.addi %rem3A_551, %select_n3A_550 : i32
        %select_n3A_561 = arith.select %and3A_559, %add3A_560, %rem3A_551 : i32
        %ne3A_562 = arith.cmpi ne, %select_n3A_545, %select_n3A_561 : i32
        %or3A_563 = arith.constant false
        %or3A_564 = arith.ori %or3A_563, %ne3A_562 : i1
        %or3A_565 = arith.constant false
        %or3A_566 = arith.ori %or3A_564, %or3A_565 : i1
        %or3A_567 = arith.ori %or3A_566, %eq3A_172 : i1
        %add3A_568 = arith.constant 1 : i32
        %add3A_569 = arith.addi %scan3A_165, %add3A_568 : i32
        %select_n3A_570 = arith.select %or3A_567, %add3A_569, %scan3A_165 : i32
        %add3A_571 = arith.constant 1 : i32
        %add3A_572 = arith.addi %scan3A_168, %add3A_571 : i32
        %select_n3A_573 = arith.constant true
        %select_n3A_574 = arith.select %select_n3A_573, %add3A_572, %scan3A_168 : i32
        %eq3A_575 = arith.constant 32 : i32
        %eq3A_576 = arith.cmpi eq, %select_n3A_574, %eq3A_575 : i32
        %select_n3A_577 = arith.constant 0 : i32
        %select_n3A_578 = arith.select %eq3A_576, %select_n3A_577, %select_n3A_574 : i32
        scf.yield %select_n3A_213, %select_n3A_529, %select_n3A_263, %select_n3A_570, %select_n3A_446, %select_n3A_520, %select_n3A_578 : i32, i32, i32, i32, i32, i32, i32
      }
      %scan3A_108 = arith.constant 32 : i32
      %sub3A = arith.constant 1 : i32
      %sub3A_109 = arith.subi %scan3A_107#6, %sub3A : i32
      %select_n3A_110 = arith.constant true
      %select_n3A_111 = arith.select %select_n3A_110, %sub3A_109, %scan3A_107#6 : i32
      %eq3A_112 = arith.constant -1 : i32
      %eq3A_113 = arith.cmpi eq, %select_n3A_111, %eq3A_112 : i32
      %select_n3A_114 = arith.constant 31 : i32
      %select_n3A_115 = arith.select %eq3A_113, %select_n3A_114, %select_n3A_111 : i32
      %add3A_116 = arith.addi %select_n3A_115, %mul3A_6 : i32
      %sub3A_117 = arith.constant 1 : i32
      %sub3A_118 = arith.subi %select_n3A_115, %sub3A_117 : i32
      %select_n3A_119 = arith.constant true
      %select_n3A_120 = arith.select %select_n3A_119, %sub3A_118, %select_n3A_115 : i32
      %eq3A_121 = arith.constant -1 : i32
      %eq3A_122 = arith.cmpi eq, %select_n3A_120, %eq3A_121 : i32
      %select_n3A_123 = arith.constant 31 : i32
      %select_n3A_124 = arith.select %eq3A_122, %select_n3A_123, %select_n3A_120 : i32
      %add3A_125 = arith.addi %select_n3A_124, %mul3A_6 : i32
      %add3A_126 = arith.constant 1 : i32
      %add3A_127 = arith.addi %select_n3A_115, %add3A_126 : i32
      %select_n3A_128 = arith.constant true
      %select_n3A_129 = arith.select %select_n3A_128, %add3A_127, %select_n3A_115 : i32
      %eq3A_130 = arith.constant 32 : i32
      %eq3A_131 = arith.cmpi eq, %select_n3A_129, %eq3A_130 : i32
      %select_n3A_132 = arith.constant 0 : i32
      %select_n3A_133 = arith.select %eq3A_131, %select_n3A_132, %select_n3A_129 : i32
      %add3A_134 = arith.addi %select_n3A_133, %mul3A_6 : i32
      %add3A_135 = arith.constant 1 : i32
      %add3A_136 = arith.addi %select_n3A_133, %add3A_135 : i32
      %select_n3A_137 = arith.constant true
      %select_n3A_138 = arith.select %select_n3A_137, %add3A_136, %select_n3A_133 : i32
      %eq3A_139 = arith.constant 32 : i32
      %eq3A_140 = arith.cmpi eq, %select_n3A_138, %eq3A_139 : i32
      %select_n3A_141 = arith.constant 0 : i32
      %select_n3A_142 = arith.select %eq3A_140, %select_n3A_141, %select_n3A_138 : i32
      %add3A_143 = arith.addi %select_n3A_142, %mul3A_6 : i32
      "tpu.trace_start"() <{level = 10 : i32, message = "ep_finalize"}> : () -> ()
      %rem3A_144 = arith.constant 2 : i32
      %rem3A_145 = arith.remui %scan3A_107#5, %rem3A_144 : i32
      %mul3A_146 = arith.constant 8 : i32
      %mul3A_147 = arith.muli %mul3A_146, %add3A_116 : i32
      %dma_wait3A = arith.constant 0 : i32
      %dma_wait3A_148 = arith.constant 0 : i32
      %dma_wait3A_149 = tpu.memref_slice %run_scoped3A_10[%rem3A_145, %dma_wait3A, %dma_wait3A_148] : memref<2x8x1024xf32, #tpu.memory_space<vmem>> -> memref<1x8x1024xf32, #tpu.memory_space<vmem>>
      %dma_wait3A_150 = tpu.memref_squeeze %dma_wait3A_149 : memref<1x8x1024xf32, #tpu.memory_space<vmem>> -> memref<8x1024xf32, #tpu.memory_space<vmem>>
      %dma_wait3A_151 = arith.constant 0 : i32
      %dma_wait3A_152 = tpu.memref_slice %arg4[%mul3A_147, %dma_wait3A_151] : memref<8192x1024xf32, #tpu.memory_space<hbm>> -> memref<8x1024xf32, #tpu.memory_space<hbm>>
      %dma_wait3A_153 = tpu.memref_slice %run_scoped3A_11[%rem3A_145] : memref<2x!tpu.dma_semaphore, #tpu.memory_space<semaphore_mem>> -> memref<1x!tpu.dma_semaphore, #tpu.memory_space<semaphore_mem>>
      %dma_wait3A_154 = tpu.memref_squeeze %dma_wait3A_153 : memref<1x!tpu.dma_semaphore, #tpu.memory_space<semaphore_mem>> -> memref<!tpu.dma_semaphore, #tpu.memory_space<semaphore_mem>>
      %dma_wait3A_155 = arith.constant 0 : i32
      %dma_wait3A_156 = tpu.memref_slice %arg4[%mul3A_147, %dma_wait3A_155] : memref<8192x1024xf32, #tpu.memory_space<hbm>> -> memref<8x1024xf32, #tpu.memory_space<hbm>>
      %dma_wait3A_157 = arith.constant 0 : i32
      %dma_wait3A_158 = arith.constant 0 : i32
      %dma_wait3A_159 = tpu.memref_slice %run_scoped3A_10[%rem3A_145, %dma_wait3A_157, %dma_wait3A_158] : memref<2x8x1024xf32, #tpu.memory_space<vmem>> -> memref<1x8x1024xf32, #tpu.memory_space<vmem>>
      %dma_wait3A_160 = tpu.memref_squeeze %dma_wait3A_159 : memref<1x8x1024xf32, #tpu.memory_space<vmem>> -> memref<8x1024xf32, #tpu.memory_space<vmem>>
      tpu.wait_dma2 semaphore(%dma_wait3A_154 : memref<!tpu.dma_semaphore, #tpu.memory_space<semaphore_mem>>) src(%dma_wait3A_160 : memref<8x1024xf32, #tpu.memory_space<vmem>>) dst(%dma_wait3A_156 : memref<8x1024xf32, #tpu.memory_space<hbm>>)
      "tpu.trace_stop"() : () -> ()
      tpu.yield
    }) : () -> ()
    return
  }
}

</mosaic_0001>

<sc_bundles>
// kernel: kernel.3.cloned.1.call-start
scs
__scs_entry_jumppad:
0x0: {  	(pc) =	sbr.rel $0x88, $3  }
0x1: {  	(tag) =	ssettag $0x0;
	lr =	simm.s32 $0x1  }
0x2: {  	[smem:$0x3F9F] =	sst lr;
	_ =	strace $0xD0000000  }
0x3: {  	_ = 	snop  }
0x4: {  	_ = 	snop  }
0x5: {  	_ = 	snop  }
0x6: {  	_ = 	snop  }
0x7: {  	_ = 	snop  }
__scs_overlays_trampoline_lowered:
0x8: {  	[smem:$0x3FAE] =	sst s0  }
0x9: {  	[smem:$0x3FAF] =	sst s1  }
0xa: {  	[smem:$0x3FB0] =	sst s2  }
0xb: {  	[smem:$0x3FB1] =	sst s3  }
0xc: {  	[smem:$0x3FB2] =	sst s4  }
0xd: {  	[smem:$0x3FB3] =	sst s5  }
0xe: {  	[smem:$0x3FB4] =	sst s6  }
0xf: {  	[smem:$0x3FB5] =	sst s7  }
0x10: {  	[smem:$0x3FB6] =	sst s8  }
0x11: {  	[smem:$0x3FB7] =	sst s9;
	s0 =	simm.s32 @!p0 $0x0  }
0x12: {  	s1 =	sld [smem:$0x3F9D];
	s0 =	simm.s32 @p0 $0x1  }
0x13: {  	[smem:$0x3FB8] =	sst s0;
	s0 =	simm.s32 @!p1 $0x0  }
0x14: {  	s2 =	sld [smem:$0x3F9C];
	s0 =	simm.s32 @p1 $0x1  }
0x15: {  	[smem:$0x3FB9] =	sst s0;
	s0 =	simm.s32 @!p2 $0x0  }
0x16: {  	s3 =	sld [smem:$0x3FDB];
	s0 =	simm.s32 @p2 $0x1  }
0x17: {  	s4 =	simm.s32 $0x1BF5;
	[smem:$0x3FBB] =	sst s0  }
0x18: {  	s0 =	sld [smem:$0x3F9E];
	_ =	swait.ge [sflag:s4], $0x0  }
0x19: {  	s7 =	sld [smem:$0x3F9F]  }
0x1a: {  	s8 =	sadd.s32 $0xFFFFE003, lr  }
0x1b: {  	s9 =	sadd.s32 $0xFFFFFEF7, lr;
	s5 =	simm.s32 $0xFFFFFFFF;
	p2 =	slt.u32 s8, $0xFFFFF086  }
0x1c: {  	p1 =	slt.u32 s9, $0xF7A;
	s5 =	simm.s32 @!p2 $0x0  }
0x1d: {  	s5 =	simm.s32 @p1 $0x1;
	p0 =	seq.s32 s7, s2  }
0x1e: {  	s7 =	smul.u32 @!p0 $0xF7A, s2;
	p2 =	seq.s32 @!p0 s5, $0x0  }
0x1f: {  	s9 =	smul.u32 $0xF7A, s1;
	s8 =	simm.s32 @!p0 $0x1BF5;
	p2 =	por !p2, p0  }
0x20: {  	[sflag:s8] =	ssyncset.s32 @!p0 $0xFFFFF086;
	s6 =	sadd.s32 @!p0 s3, s7;
	s7 =	simm.s32 @!p0 $0x108  }
0x21: {  	s3 =	sadd.s32 s3, s9;
	s6 =	sadd.s32 @!p0 $0x88, s6;
	s7 =	simm.s32 @p2 $0x1082  }
0x22: {  	[simem:s7], [sflag:s8] =	dma.local @!p0 [hbm:s6], $0xF7A  }
0x23: {  	s9 =	sor.u32 $0xD0000000, s2;
	s6 =	simm.s32 $0x108;
	_ =	swait.ge @!p0 [sflag:s8], $0x0  }
0x24: {  	s3 =	sadd.s32 $0x88, s3;
	s6 =	simm.s32 @!p1 $0x1082;
	[sflag:s4] =	ssyncset.s32 $0xFFFFF086  }
0x25: {  	[simem:s6], [sflag:s4] =	dma.local [hbm:s3], $0xF7A  }
0x26: {  	[smem:$0x3F9F] =	sst s1;
	(tag) =	ssettag s2;
	_ =	strace s9  }
0x27: {  	s1 =	sld [smem:$0x3FAF]  }
0x28: {  	s2 =	sld [smem:$0x3FB0]  }
0x29: {  	s4 =	sld [smem:$0x3FB2]  }
0x2a: {  	p0 =	seq.s32 s5, $0x0;
	s5 =	sld [smem:$0x3FB3]  }
0x2b: {  	s6 =	sld [smem:$0x3FB4]  }
0x2c: {  	s7 =	sld [smem:$0x3FB5]  }
0x2d: {  	s3 =	simm.s32 $0x108;
	s8 =	sld [smem:$0x3FB6]  }
0x2e: {  	s3 =	simm.s32 @!p0 $0x1082;
	s9 =	sld [smem:$0x3FB7]  }
0x2f: {  	lr =	sadd.s32 s0, s3;
	s0 =	sld [smem:$0x3FAE]  }
0x30: {  	s3 =	sld [smem:$0x3FB1]  }
0x31: {  	[smem:$0x3FBA] =	sst s10  }
0x32: {  	s10 =	sld [smem:$0x3FB8];
	_ =	sdelay $0x3  }
0x33: {  	p0 =	seq.s32 s10, $0x1;
	s10 =	sld [smem:$0x3FBA];
	_ =	sdelay $0x3  }
0x34: {  	[smem:$0x3FBA] =	sst s10  }
0x35: {  	s10 =	sld [smem:$0x3FB9];
	_ =	sdelay $0x3  }
0x36: {  	p1 =	seq.s32 s10, $0x1;
	s10 =	sld [smem:$0x3FBA];
	_ =	sdelay $0x3  }
0x37: {  	[smem:$0x3FBA] =	sst s10  }
0x38: {  	s10 =	sld [smem:$0x3FBB]  }
0x39: {  	_ = 	snop;
	(pc) =	sbr.ind lr, $3  }
0x3a: {  	_ = 	snop  }
0x3b: {  	_ = 	snop  }
0x3c: {  	p2 =	seq.s32 s10, $0x1;
	s10 =	sld [smem:$0x3FBA]  }
0x3d: {  	_ =	shalt  }
0x3e: {  	_ =	shalt  }
0x3f: {  	_ =	shalt  }
0x40: {  	_ =	shalt  }
0x41: {  	_ =	shalt  }
0x42: {  	_ =	shalt  }
0x43: {  	_ =	shalt  }
0x44: {  	_ =	shalt  }
0x45: {  	_ =	shalt  }
0x46: {  	_ =	shalt  }
0x47: {  	_ =	shalt  }
0x48: {  	_ =	shalt  }
0x49: {  	_ =	shalt  }
0x4a: {  	_ =	shalt  }
0x4b: {  	_ =	shalt  }
0x4c: {  	_ =	shalt  }
0x4d: {  	_ =	shalt  }
0x4e: {  	_ =	shalt  }
0x4f: {  	_ =	shalt  }
0x50: {  	_ =	shalt  }
0x51: {  	_ =	shalt  }
0x52: {  	_ =	shalt  }
0x53: {  	_ =	shalt  }
0x54: {  	_ =	shalt  }
0x55: {  	_ =	shalt  }
0x56: {  	_ =	shalt  }
0x57: {  	_ =	shalt  }
0x58: {  	_ =	shalt  }
0x59: {  	_ =	shalt  }
0x5a: {  	_ =	shalt  }
0x5b: {  	_ =	shalt  }
0x5c: {  	_ =	shalt  }
0x5d: {  	_ =	shalt  }
0x5e: {  	_ =	shalt  }
0x5f: {  	_ =	shalt  }
0x60: {  	_ =	shalt  }
0x61: {  	_ =	shalt  }
0x62: {  	_ =	shalt  }
0x63: {  	_ =	shalt  }
0x64: {  	_ =	shalt  }
0x65: {  	_ =	shalt  }
0x66: {  	_ =	shalt  }
0x67: {  	_ =	shalt  }
0x68: {  	_ =	shalt  }
0x69: {  	_ =	shalt  }
0x6a: {  	_ =	shalt  }
0x6b: {  	_ =	shalt  }
0x6c: {  	_ =	shalt  }
0x6d: {  	_ =	shalt  }
0x6e: {  	_ =	shalt  }
0x6f: {  	_ =	shalt  }
0x70: {  	_ =	shalt  }
0x71: {  	_ =	shalt  }
0x72: {  	_ =	shalt  }
0x73: {  	_ =	shalt  }
0x74: {  	_ =	shalt  }
0x75: {  	_ =	shalt  }
0x76: {  	_ =	shalt  }
0x77: {  	_ =	shalt  }
0x78: {  	_ =	shalt  }
0x79: {  	_ =	shalt  }
0x7a: {  	_ =	shalt  }
0x7b: {  	_ =	shalt  }
0x7c: {  	_ =	shalt  }
0x7d: {  	_ =	shalt  }
0x7e: {  	_ =	shalt  }
0x7f: {  	_ =	shalt  }
0x80: {  	_ =	shalt  }
0x81: {  	_ =	shalt  }
0x82: {  	_ =	shalt  }
0x83: {  	_ =	shalt  }
0x84: {  	_ =	shalt  }
0x85: {  	_ =	shalt  }
0x86: {  	_ =	shalt  }
0x87: {  	_ =	shalt  }
.Lfunc_end0:
.L_simem_size_0:
called_computation_lowered:
.L_overlay_start_0:
0x88: {  	s2 =	sld [smem:$0x3FD9]  }
0x89: {  	s3 =	sld [smem:$0x3FFE];
	_ =	sdelay $0x1  }
0x8a: {  	s1 =	srdreg.scid  }
0x8b: {  	s0 =	sand.u32 $0x1, s1  }
0x8c: {  	s18 =	sshll.u32 s0, $0xA;
	s2 =	sadd.s32 s3, s2  }
0x8d: {  	s2 =	sadd.s32 s2, s18  }
0x8e: {  	[smem:$0x3FC6] =	sst s2  }
0x8f: {  	_ = 	snop  }
0x90: {  	s2 =	sld [smem:$0x3FC9]  }
0x91: {  	s19 =	sld [smem:$0x3FC8]  }
0x92: {  	s4 =	sld [smem:$0x3FD0];
	(tm) =	ssettm $0x1  }
0x93: {  	s5 =	sld [smem:$0x3FFB];
	_ =	sdelay $0x3  }
0x94: {  	_ =	strace s5  }
0x95: {  	s5 =	sld [smem:$0x3FFC];
	_ =	sdelay $0x3  }
0x96: {  	_ =	strace s5  }
0x97: {  	s5 =	sld [smem:$0x3FFD];
	_ =	sdelay $0x3  }
0x98: {  	_ =	strace s5  }
0x99: {  	_ =	strace $0x8FFFFFFF  }
0x9a: {  	s20 =	sld [smem:$0x3FDB];
	_ =	sdelay $0x1  }
0x9b: {  	s6 =	simm.s32 $_scs_section_size  }
0x9c: {  	s7 =	simm.s32 $_size__tile_overlayer_lowered;
	s8 =	simm.s32 $_tile_overlayer_lowered  }
0x9d: {  	s23 =	simm.s32 $0x1BFF;
	s22 =	sshll.u32 s8, $0x1;
	s5 =	sadd.s32 s6, s20  }
0x9e: {  	s9 =	simm.s32 $0x0;
	s21 =	sshll.u32 s7, $0x1;
	s7 =	sadd.s32 s22, s5  }
0x9f: {  	[timem:s9], [sflag:s23] =	dma.local [hbm:s7], s21  }
0xa0: {  	_ =	swait.ge [sflag:s23], s21  }
0xa1: {  	s6 =	ssub.s32 $0x0, s21;
	[sflag:s23] =	ssyncset.done $0x0  }
0xa2: {  	[sflag:s23] =	ssyncadd.s32 s6;
	_ =	sdelay $0x1  }
0xa3: {  	s24 =	simm.s32 $0x1B8B  }
0xa4: {  	_ =	swait.ge [sflag:s24], $0x1  }
0xa5: {  	[sflag:s24] =	ssyncset.done $0x0  }
0xa6: {  	s25 =	simm.s32 $0x1B8E;
	[sflag:s24] =	ssyncadd.s32 $0xFFFFFFFF  }
0xa7: {  	s26 =	simm.s32 $execute0_lowered;
	[smem:$0x3FD2] =	sst s25  }
0xa8: {  	s6 =	sshll.u32 s26, $0x1;
	_ =	strace $0x80000046;
	[dreg:$0x1] =	wrdreg $0xFFFFFFFF  }
0xa9: {  	s28 =	simm.s32 $_size_execute0_lowered;
	s5 =	sadd.s32 s5, s6;
	[dreg:$0x0] =	wrdreg $0x0  }
0xaa: {  	s6 =	sshll.u32 s28, $0x1;
	[dreg:$0x2] =	wrdreg s5  }
0xab: {  	[dreg:$0x3] =	wrdreg s6  }
0xac: {  	[dreg:$0x4] =	wrdreg $0xC0  }
0xad: {  	_ =	task [dreg:s9], $0x5FFFF  }
0xae: {  	[dreg:$0x1] =	wrdreg $0xFFFFFFFF  }
0xaf: {  	[dreg:$0x0] =	wrdreg $0x60  }
0xb0: {  	[dreg:$0x2] =	wrdreg s2  }
0xb1: {  	[dreg:$0x3] =	wrdreg s19  }
0xb2: {  	[dreg:$0x4] =	wrdreg s4  }
0xb3: {  	[dreg:$0x5] =	wrdreg $0x9  }
0xb4: {  	_ =	task.clear_ibuf [dreg:s9], $0x6FFFF;
	_ =	strace $0x90000046  }
0xb5: {  	s29 =	simm.s32 $0x9;
	_ =	strace $0x80000051  }
0xb6: {  	_ =	swait.ge [sflag:s29], $0x1  }
0xb7: {  	[sflag:s29] =	ssyncadd.s32 $0xFFFFFFFF  }
0xb8: {  	_ =	strace $0x90000051  }
0xb9: {  	_ =	sfence  }
0xba: {  	s30 =	sld [smem:$0x0];
	_ =	sdelay $0x2  }
0xbb: {  	s31 =	sshll.u32 s1, $0xD;
	s1 =	sshrl.u32 s1, $0x2  }
0xbc: {  	s3 =	sand.u32 $0x4000, s31;
	s1 =	sadd.s32 s1, s30  }
0xbd: {  	s0 =	sor.u32 s3, s0;
	s1 =	sshll.u32 s1, $0x11  }
0xbe: {  	s0 =	sor.u32 s1, s0  }
0xbf: {  	s0 =	sadd.s32 $0x8F2B, s0  }
0xc0: {  	[sflag:s0] =	ssyncadd.remote.s32 $0x1  }
0xc1: {  	_ =	sfence.sel $0xFFFF  }
0xc2: {  	[dreg:$0x0] =	wrdreg $0xFFFFFFFF;
	(pc) =	sbr.abs _section_cstart, $3  }
0xc3: {  	[dreg:$0x1] =	wrdreg $0xFFFFFFFF  }
0xc4: {  	_ =	task.clear_ibuf [dreg:s9], $0x2FFFF;
	_ =	strace $0x9FFFFFFF  }
0xc5: {  	(tm) =	ssettm $0x7FFFFFFF  }
tec
execute0_lowered:
.L_overlay_start_1:
0x0: {  	(tag) =	ssettag $0x1  }
0x1: {  	s1 =	rddreg [dreg:$0x0]  }
0x2: {  	s2 =	rddreg [dreg:$0x1]  }
0x3: {  	s3 =	rddreg [dreg:$0x2]  }
0x4: {  	s4 =	simm.s32 $0x0;
	s0 =	srdreg.scid;
	s5 =	stileid.u32  }
0x5: {  	s10 =	simm.s32 $0x4000;
	s11 =	simm.s32 $0x6;
	s12 =	simm.s32 $0x0  }
0x6: {  	[smem:$0x7FF] =	sst s4;
	s0 =	sand.u32 $0x1, s0;
	s31 =	sshll.u32 s5, $0xF  }
0x7: {  	_ =	strace $0x80000047;
	s6 =	ssub.s32 $0x2, s0;
	s0 =	sshll.u32 s0, $0x4  }
0x8: {  	s8 =	sand.u32 $0x38000, s31;
	s7 =	sshrl.u32 s6, $0x1;
	s0 =	sor.u32 s5, s0  }
0x9: {  	s9 =	ssub.s32 s6, s7;
	s6 =	sshll.u32 s0, $0x5;
	s0 =	sshll.u32 s0, $0xF  }
0xa: {  	s8 =	sadd.s32 s2, s8;
	s7 =	sadd.s32 s1, s0;
	s9 =	smax.u32 s9, $0x1  }
.LBB2_1:
0xb: {  	_ =	strace $0x80000048  }
0xc: {  	s13 =	simm.s32 $0x0;
	s14 =	simm.s32 $0x0;
	s15 =	simm.s32 $0x0  }
0xd: {  	[tilespmem:s4], [sflag:$0x1] =	stream.linear.gather [hbm4b:s7+s4], $0x2000, $0x200038;
	[tilespmem:$0xC000] =	vst v63  }
0xe: {  	s16 =	simm.s32 $0x0;
	s17 =	simm.s32 $0x1;
	s18 =	simm.s32 $0x0  }
0xf: {  	[tilespmem:s10], [sflag:$0x3] =	stream.linear.gather [hbm4b:s8+s4], $0x2000, $0x200038;
	[tilespmem:$0xC000] =	vst v63  }
0x10: {  	s19 =	simm.s32 $0x1;
	s20 =	simm.s32 $0x0;
	_ =	strace $0x90000048  }
.LBB2_2:
0x11: {  	s0 =	smov.u32 s13;
	s13 =	sadd.s32 $0x1, s13  }
0x12: {  	p0 =	seq.s32 s13, $0x20  }
0x13: {  	s13 =	simm.s32 @p0 $0x0  }
0x14: {  	p2 =	sne.s32 s20, $0x1F;
	p1 =	sne.s32 s0, s13  }
0x15: {  	p6 =	por !p2, !p1  }
0x16: {  	s22 =	sadd.s32 s6, s13;
	p3 =	por !p6, !p6  }
0x17: {  	s21 =	sadd.s32 s6, s0;
	_ =	strace @p3 $0x80000049;
	s24 =	sshll.u32 @p3 s22, $0xA  }
0x18: {  	s23 =	sand.u32 @p3 $0x1, s19;
	s26 =	simm.s32 @p3 $0x0;
	s24 =	sand.u32 @p3 $0x1FFFFC00, s24  }
0x19: {  	s25 =	sshll.u32 @p3 s23, $0xD;
	s23 =	sadd.s32 @p3 $0x1, s23;
	s24 =	sadd.s32 @p3 s1, s24  }
0x1a: {  	[tilespmem:s25], [sflag:s23] =	stream.linear.gather @p3 [hbm4b:s24+s26], $0x2000, $0x200038;
	[tilespmem:$0xC000] =	vst v63  }
0x1b: {  	s22 =	sand.u32 $0xFF, s22;
	s24 =	sand.u32 $0xFF, s21  }
0x1c: {  	s29 =	simm.s32 $0x0;
	p0 =	sne.s32 s24, s22  }
0x1d: {  	s31 =	simm.s32 $0x10;
	s25 =	sadd.s32 $0xFF, s0;
	p2 =	por !p2, !p0  }
0x1e: {  	_ =	strace @p3 $0x90000049;
	p4 =	por !p2, !p2;
	p2 =	seq.s32 s0, $0x0  }
0x1f: {  	s23 =	sand.u32 @p4 $0x1, s17;
	_ =	strace @p4 $0x8000004A;
	s22 =	sshll.u32 @p4 s22, $0xA  }
0x20: {  	s26 =	simm.s32 @p4 $0x0;
	s25 =	simm.s32 @p2 $0x1F;
	s0 =	sshll.u32 @p4 s23, $0xD  }
0x21: {  	s23 =	sadd.s32 @p4 $0x3, s23;
	s22 =	sadd.s32 @p4 s2, s22;
	s0 =	sor.u32 @p4 $0x4000, s0  }
0x22: {  	[tilespmem:s0], [sflag:s23] =	stream.linear.gather @p4 [hbm4b:s22+s26], $0x2000, $0x200038;
	[tilespmem:$0xC000] =	vst v63  }
0x23: {  	p2 =	seq.s32 s20, $0x0;
	s23 =	sand.u32 $0x1, s18;
	_ =	strace @p4 $0x9000004A  }
0x24: {  	s26 =	sadd.s32 s6, s25;
	s5 =	sadd.s32 $0x1, s23;
	_ =	strace $0x8000004B  }
0x25: {  	s25 =	sand.u32 $0x1, s16;
	s0 =	sand.u32 $0xFF, s26;
	_ =	swait.ge [sflag:s5], $0x2000  }
0x26: {  	s22 =	simm.s32 $0x1;
	p5 =	sne.s32 @!p2 s24, s0;
	[sflag:s5] =	ssyncset.done $0x0  }
0x27: {  	s22 =	simm.s32 @!p4 $0x0;
	p5 =	por p2, p5;
	[sflag:s5] =	ssyncadd.s32 $0xFFFFE000  }
0x28: {  	s0 =	sadd.s32 @p5 $0x3, s25;
	s25 =	sshll.u32 s25, $0xD;
	_ =	strace $0x9000004B  }
0x29: {  	s17 =	sadd.s32 s22, s17;
	s25 =	sor.u32 $0x4000, s25;
	_ =	strace @p5 $0x8000004C  }
0x2a: {  	s22 =	sand.u32 $0x1, s15;
	s24 =	sshll.u32 s23, $0xD;
	v2 =	vmov s25;
	_ =	swait.ge @p5 [sflag:s0], $0x2000  }
0x2b: {  	s28 =	sand.u32 $0x1C00, s29;
	s26 =	sshll.u32 s22, $0xD;
	v1 =	vmov s24;
	[sflag:s0] =	ssyncset.done @p5 $0x0  }
0x2c: {  	s23 =	sor.u32 $0x8000, s26;
	[sflag:s0] =	ssyncadd.s32 @p5 $0xFFFFE000;
	s0 =	simm.s32 $0x1  }
0x2d: {  	s26 =	sand.u32 $0x70, s29;
	_ =	strace @p5 $0x9000004C;
	s0 =	simm.s32 @!p3 $0x0  }
0x2e: {  	v0 =	vmov s23;
	s30 =	sor.u32 s26, s28;
	s19 =	sadd.s32 s0, s19;
	_ =	strace $0x8000004D  }
.LBB2_3:
0x2f: {  	p3 =	sne.s32 s31, $0x3F0;
	v3 =	vld.idx.msk [tilespmem:v2+s30+$0x0 ss:$0x1], $0xffff  }
0x30: {  	v4 =	vld.idx.msk [tilespmem:v1+s30+$0x0 ss:$0x1], $0xffff;
	_ =	sdelay $0x3  }
.Ltmp0:
0x31: {  	(pc) =	sbr.rel @p3 .LBB2_3-.Ltmp0, $4  }
0x32: {  	_ = 	snop  }
0x33: {  	s29 =	sadd.s32 $0x80, s29;
	v3 =	vadd.f32 v3, v4  }
0x34: {  	s0 =	sand.u32 $0x70, s31;
	s5 =	sand.u32 $0x1C00, s29  }
0x35: {  	s31 =	sadd.s32 $0x10, s31;
	[tilespmem:v0+s30+$0x0 ss:$0x1] =	vst.idx.msk $0xffff, v3;
	s30 =	sor.u32 s0, s5  }
0x36: {  	_ =	sdelay $0x3  }
0x37: {  	v2 =	vld.idx.msk [tilespmem:v2+s30+$0x0 ss:$0x1], $0xffff  }
0x38: {  	v1 =	vld.idx.msk [tilespmem:v1+s30+$0x0 ss:$0x1], $0xffff;
	_ =	sdelay $0x4  }
0x39: {  	s0 =	sor.u32 s28, s26;
	v1 =	vadd.f32 v2, v1  }
0x3a: {  	s26 =	sor.u32 $0x80, s0  }
0x3b: {  	s0 =	sadd.s32 s26, s25;
	[tilespmem:v0+s30+$0x0 ss:$0x1] =	vst.idx.msk $0xffff, v1  }
0x3c: {  	s5 =	sadd.s32 s26, s24;
	v0 =	vld [tilespmem:s0+$0x0]  }
0x3d: {  	v1 =	vld [tilespmem:s5+$0x0];
	_ =	sdelay $0x2  }
0x3e: {  	s28 =	simm.s32 $0x80;
	s5 =	simm.s32 $0x10  }
0x3f: {  	s31 =	sand.u32 $0x1C00, s28;
	s0 =	sand.u32 $0x70, s5  }
0x40: {  	s29 =	simm.s32 $0x20;
	s30 =	sor.u32 s31, s0;
	v0 =	vadd.f32 v0, v1  }
.LBB2_5:
0x41: {  	p3 =	sne.s32 s29, $0x3F0;
	s0 =	sadd.s32 s26, s23;
	s26 =	sor.u32 $0x80, s30  }
0x42: {  	s5 =	sadd.s32 s26, s25;
	[tilespmem:s0+$0x0] =	vst v0  }
0x43: {  	s0 =	sadd.s32 s26, s24;
	v0 =	vld [tilespmem:s5+$0x0]  }
0x44: {  	v1 =	vld [tilespmem:s0+$0x0]  }
.Ltmp1:
0x45: {  	(pc) =	sbr.rel @p3 .LBB2_5-.Ltmp1, $4  }
0x46: {  	_ = 	snop  }
0x47: {  	s28 =	sadd.s32 $0x80, s28  }
0x48: {  	s5 =	sand.u32 $0x1C00, s28;
	s0 =	sand.u32 $0x70, s29  }
0x49: {  	s29 =	sadd.s32 $0x10, s29;
	s30 =	sor.u32 s5, s0;
	v0 =	vadd.f32 v0, v1  }
0x4a: {  	s0 =	sor.u32 $0x80, s30;
	s5 =	sadd.s32 s26, s23  }
0x4b: {  	s26 =	sadd.s32 s0, s25;
	[tilespmem:s5+$0x0] =	vst v0  }
0x4c: {  	s5 =	sadd.s32 s0, s24;
	v0 =	vld [tilespmem:s26+$0x0]  }
0x4d: {  	v1 =	vld [tilespmem:s5+$0x0];
	_ =	sdelay $0x2  }
0x4e: {  	s5 =	simm.s32 $0x0  }
0x4f: {  	s26 =	sand.u32 $0x70, s5;
	s5 =	sand.u32 $0x1C00, s5  }
0x50: {  	s26 =	sor.u32 s5, s26;
	v0 =	vadd.f32 v0, v1  }
0x51: {  	s0 =	sadd.s32 s0, s23;
	s29 =	sor.u32 $0x100, s26  }
0x52: {  	[tilespmem:s0+$0x0] =	vst v0;
	s0 =	sadd.s32 s29, s25  }
0x53: {  	s5 =	sadd.s32 s29, s24;
	v0 =	vld [tilespmem:s0+$0x0]  }
0x54: {  	v1 =	vld [tilespmem:s5+$0x0];
	_ =	sdelay $0x2  }
0x55: {  	s30 =	simm.s32 $0x80;
	s5 =	simm.s32 $0x10  }
0x56: {  	s28 =	sand.u32 $0x70, s5;
	s5 =	sand.u32 $0x1C00, s30  }
0x57: {  	s31 =	simm.s32 $0x20;
	s0 =	sor.u32 s5, s28;
	v0 =	vadd.f32 v0, v1  }
.LBB2_7:
0x58: {  	p3 =	sne.s32 s31, $0x3F0;
	s5 =	sadd.s32 s29, s23;
	s29 =	sor.u32 $0x100, s0  }
0x59: {  	s0 =	sadd.s32 s29, s25;
	[tilespmem:s5+$0x0] =	vst v0  }
0x5a: {  	s5 =	sadd.s32 s29, s24;
	v0 =	vld [tilespmem:s0+$0x0]  }
0x5b: {  	v1 =	vld [tilespmem:s5+$0x0]  }
.Ltmp2:
0x5c: {  	(pc) =	sbr.rel @p3 .LBB2_7-.Ltmp2, $4  }
0x5d: {  	_ = 	snop  }
0x5e: {  	s30 =	sadd.s32 $0x80, s30  }
0x5f: {  	s0 =	sand.u32 $0x70, s31;
	s5 =	sand.u32 $0x1C00, s30  }
0x60: {  	s31 =	sadd.s32 $0x10, s31;
	s0 =	sor.u32 s5, s0;
	v0 =	vadd.f32 v0, v1  }
0x61: {  	s0 =	sor.u32 $0x100, s0;
	s5 =	sadd.s32 s29, s23  }
0x62: {  	s29 =	sadd.s32 s0, s25;
	[tilespmem:s5+$0x0] =	vst v0  }
0x63: {  	s31 =	sadd.s32 s0, s24;
	v0 =	vld [tilespmem:s29+$0x0]  }
0x64: {  	v1 =	vld [tilespmem:s31+$0x0];
	_ =	sdelay $0x4  }
0x65: {  	v0 =	vadd.f32 v0, v1  }
0x66: {  	s26 =	sor.u32 $0x180, s26;
	s0 =	sadd.s32 s0, s23  }
0x67: {  	s5 =	sadd.s32 s26, s25;
	[tilespmem:s0+$0x0] =	vst v0  }
0x68: {  	s30 =	sadd.s32 s26, s24;
	v0 =	vld [tilespmem:s5+$0x0]  }
0x69: {  	v1 =	vld [tilespmem:s30+$0x0];
	_ =	sdelay $0x2  }
0x6a: {  	s29 =	simm.s32 $0x80  }
0x6b: {  	s31 =	sand.u32 $0x1C00, s29  }
0x6c: {  	s0 =	sor.u32 s31, s28;
	s28 =	simm.s32 $0x20;
	v0 =	vadd.f32 v0, v1  }
.LBB2_9:
0x6d: {  	p3 =	sne.s32 s28, $0x3F0;
	s5 =	sadd.s32 s26, s23;
	s26 =	sor.u32 $0x180, s0  }
0x6e: {  	s0 =	sadd.s32 s26, s25;
	[tilespmem:s5+$0x0] =	vst v0  }
0x6f: {  	s5 =	sadd.s32 s26, s24;
	v0 =	vld [tilespmem:s0+$0x0]  }
0x70: {  	v1 =	vld [tilespmem:s5+$0x0]  }
.Ltmp3:
0x71: {  	(pc) =	sbr.rel @p3 .LBB2_9-.Ltmp3, $4  }
0x72: {  	_ = 	snop  }
0x73: {  	s29 =	sadd.s32 $0x80, s29  }
0x74: {  	s0 =	sand.u32 $0x70, s28;
	s5 =	sand.u32 $0x1C00, s29  }
0x75: {  	s28 =	sadd.s32 $0x10, s28;
	s0 =	sor.u32 s5, s0;
	v0 =	vadd.f32 v0, v1  }
0x76: {  	s0 =	sor.u32 $0x180, s0;
	s5 =	sadd.s32 s26, s23  }
0x77: {  	s26 =	sadd.s32 s0, s25;
	[tilespmem:s5+$0x0] =	vst v0  }
0x78: {  	s5 =	sadd.s32 s0, s24;
	v0 =	vld [tilespmem:s26+$0x0]  }
0x79: {  	v1 =	vld [tilespmem:s5+$0x0];
	_ =	sdelay $0x2  }
0x7a: {  	s5 =	simm.s32 $0x0  }
0x7b: {  	s26 =	sand.u32 $0x70, s5;
	s5 =	sand.u32 $0x1C00, s5  }
0x7c: {  	s26 =	sor.u32 s5, s26;
	v0 =	vadd.f32 v0, v1  }
0x7d: {  	s0 =	sadd.s32 s0, s23;
	s29 =	sor.u32 $0x200, s26  }
0x7e: {  	[tilespmem:s0+$0x0] =	vst v0;
	s0 =	sadd.s32 s29, s25  }
0x7f: {  	s5 =	sadd.s32 s29, s24;
	v0 =	vld [tilespmem:s0+$0x0]  }
0x80: {  	v1 =	vld [tilespmem:s5+$0x0];
	_ =	sdelay $0x2  }
0x81: {  	s30 =	simm.s32 $0x80;
	s5 =	simm.s32 $0x10  }
0x82: {  	s28 =	sand.u32 $0x70, s5;
	s5 =	sand.u32 $0x1C00, s30  }
0x83: {  	s31 =	simm.s32 $0x20;
	s0 =	sor.u32 s5, s28;
	v0 =	vadd.f32 v0, v1  }
.LBB2_11:
0x84: {  	p3 =	sne.s32 s31, $0x3F0;
	s5 =	sadd.s32 s29, s23;
	s29 =	sor.u32 $0x200, s0  }
0x85: {  	s0 =	sadd.s32 s29, s25;
	[tilespmem:s5+$0x0] =	vst v0  }
0x86: {  	s5 =	sadd.s32 s29, s24;
	v0 =	vld [tilespmem:s0+$0x0]  }
0x87: {  	v1 =	vld [tilespmem:s5+$0x0]  }
.Ltmp4:
0x88: {  	(pc) =	sbr.rel @p3 .LBB2_11-.Ltmp4, $4  }
0x89: {  	_ = 	snop  }
0x8a: {  	s30 =	sadd.s32 $0x80, s30  }
0x8b: {  	s0 =	sand.u32 $0x70, s31;
	s5 =	sand.u32 $0x1C00, s30  }
0x8c: {  	s31 =	sadd.s32 $0x10, s31;
	s0 =	sor.u32 s5, s0;
	v0 =	vadd.f32 v0, v1  }
0x8d: {  	s0 =	sor.u32 $0x200, s0;
	s5 =	sadd.s32 s29, s23  }
0x8e: {  	s29 =	sadd.s32 s0, s25;
	[tilespmem:s5+$0x0] =	vst v0  }
0x8f: {  	s31 =	sadd.s32 s0, s24;
	v0 =	vld [tilespmem:s29+$0x0]  }
0x90: {  	v1 =	vld [tilespmem:s31+$0x0];
	_ =	sdelay $0x4  }
0x91: {  	v0 =	vadd.f32 v0, v1  }
0x92: {  	s26 =	sor.u32 $0x280, s26;
	s0 =	sadd.s32 s0, s23  }
0x93: {  	s5 =	sadd.s32 s26, s25;
	[tilespmem:s0+$0x0] =	vst v0  }
0x94: {  	s30 =	sadd.s32 s26, s24;
	v0 =	vld [tilespmem:s5+$0x0]  }
0x95: {  	v1 =	vld [tilespmem:s30+$0x0];
	_ =	sdelay $0x2  }
0x96: {  	s29 =	simm.s32 $0x80  }
0x97: {  	s31 =	sand.u32 $0x1C00, s29  }
0x98: {  	s0 =	sor.u32 s31, s28;
	s28 =	simm.s32 $0x20;
	v0 =	vadd.f32 v0, v1  }
.LBB2_13:
0x99: {  	p3 =	sne.s32 s28, $0x3F0;
	s5 =	sadd.s32 s26, s23;
	s26 =	sor.u32 $0x280, s0  }
0x9a: {  	s0 =	sadd.s32 s26, s25;
	[tilespmem:s5+$0x0] =	vst v0  }
0x9b: {  	s5 =	sadd.s32 s26, s24;
	v0 =	vld [tilespmem:s0+$0x0]  }
0x9c: {  	v1 =	vld [tilespmem:s5+$0x0]  }
.Ltmp5:
0x9d: {  	(pc) =	sbr.rel @p3 .LBB2_13-.Ltmp5, $4  }
0x9e: {  	_ = 	snop  }
0x9f: {  	s29 =	sadd.s32 $0x80, s29  }
0xa0: {  	s0 =	sand.u32 $0x70, s28;
	s5 =	sand.u32 $0x1C00, s29  }
0xa1: {  	s28 =	sadd.s32 $0x10, s28;
	s0 =	sor.u32 s5, s0;
	v0 =	vadd.f32 v0, v1  }
0xa2: {  	s0 =	sor.u32 $0x280, s0;
	s5 =	sadd.s32 s26, s23  }
0xa3: {  	s26 =	sadd.s32 s0, s25;
	[tilespmem:s5+$0x0] =	vst v0  }
0xa4: {  	s5 =	sadd.s32 s0, s24;
	v0 =	vld [tilespmem:s26+$0x0]  }
0xa5: {  	v1 =	vld [tilespmem:s5+$0x0];
	_ =	sdelay $0x2  }
0xa6: {  	s26 =	simm.s32 $0x0  }
0xa7: {  	s5 =	sand.u32 $0x70, s26;
	s28 =	sand.u32 $0x1C00, s26  }
0xa8: {  	s5 =	sor.u32 s28, s5;
	v0 =	vadd.f32 v0, v1  }
0xa9: {  	s0 =	sadd.s32 s0, s23;
	s29 =	sor.u32 $0x300, s5  }
0xaa: {  	[tilespmem:s0+$0x0] =	vst v0;
	s0 =	sadd.s32 s29, s25  }
0xab: {  	s5 =	sadd.s32 s29, s24;
	v0 =	vld [tilespmem:s0+$0x0]  }
0xac: {  	v1 =	vld [tilespmem:s5+$0x0];
	_ =	sdelay $0x2  }
0xad: {  	s30 =	simm.s32 $0x80;
	s28 =	simm.s32 $0x10  }
0xae: {  	s0 =	sand.u32 $0x70, s28;
	s5 =	sand.u32 $0x1C00, s30  }
0xaf: {  	s31 =	simm.s32 $0x20;
	s0 =	sor.u32 s5, s0;
	v0 =	vadd.f32 v0, v1  }
.LBB2_15:
0xb0: {  	p3 =	sne.s32 s31, $0x3F0;
	s5 =	sadd.s32 s29, s23;
	s29 =	sor.u32 $0x300, s0  }
0xb1: {  	s0 =	sadd.s32 s29, s25;
	[tilespmem:s5+$0x0] =	vst v0  }
0xb2: {  	s5 =	sadd.s32 s29, s24;
	v0 =	vld [tilespmem:s0+$0x0]  }
0xb3: {  	v1 =	vld [tilespmem:s5+$0x0]  }
.Ltmp6:
0xb4: {  	(pc) =	sbr.rel @p3 .LBB2_15-.Ltmp6, $4  }
0xb5: {  	_ = 	snop  }
0xb6: {  	s30 =	sadd.s32 $0x80, s30  }
0xb7: {  	s0 =	sand.u32 $0x70, s31;
	s5 =	sand.u32 $0x1C00, s30  }
0xb8: {  	s31 =	sadd.s32 $0x10, s31;
	s0 =	sor.u32 s5, s0;
	v0 =	vadd.f32 v0, v1  }
0xb9: {  	s0 =	sor.u32 $0x300, s0;
	s5 =	sadd.s32 s29, s23  }
0xba: {  	s29 =	sadd.s32 s0, s25;
	[tilespmem:s5+$0x0] =	vst v0  }
0xbb: {  	s30 =	sadd.s32 s0, s24;
	v0 =	vld [tilespmem:s29+$0x0]  }
0xbc: {  	v1 =	vld [tilespmem:s30+$0x0];
	_ =	sdelay $0x4  }
0xbd: {  	s31 =	sor.u32 s26, s26;
	v0 =	vadd.f32 v0, v1  }
0xbe: {  	s0 =	sadd.s32 s0, s23;
	s5 =	sor.u32 $0x380, s31  }
0xbf: {  	s26 =	sadd.s32 s5, s25;
	[tilespmem:s0+$0x0] =	vst v0  }
0xc0: {  	s30 =	sadd.s32 s5, s24;
	v0 =	vld [tilespmem:s26+$0x0]  }
0xc1: {  	v1 =	vld [tilespmem:s30+$0x0];
	_ =	sdelay $0x3  }
0xc2: {  	s29 =	simm.s32 $0x80  }
0xc3: {  	s31 =	sor.u32 s29, s28;
	v0 =	vadd.f32 v0, v1  }
0xc4: {  	s28 =	simm.s32 $0x20;
	s0 =	sadd.s32 s5, s23;
	s26 =	sor.u32 $0x380, s31  }
.LBB2_17:
0xc5: {  	p3 =	sne.s32 s28, $0x3F0;
	s5 =	sadd.s32 s26, s25;
	[tilespmem:s0+$0x0] =	vst v0  }
0xc6: {  	s0 =	sadd.s32 s26, s24;
	v0 =	vld [tilespmem:s5+$0x0]  }
0xc7: {  	v1 =	vld [tilespmem:s0+$0x0];
	_ =	sdelay $0x1  }
.Ltmp7:
0xc8: {  	(pc) =	sbr.rel @p3 .LBB2_17-.Ltmp7, $4  }
0xc9: {  	_ = 	snop  }
0xca: {  	s29 =	sadd.s32 $0x80, s29  }
0xcb: {  	s5 =	sor.u32 s29, s28;
	v0 =	vadd.f32 v0, v1  }
0xcc: {  	s28 =	sadd.s32 $0x10, s28;
	s0 =	sadd.s32 s26, s23;
	s26 =	sor.u32 $0x380, s5  }
0xcd: {  	s5 =	sadd.s32 s26, s25;
	[tilespmem:s0+$0x0] =	vst v0  }
0xce: {  	s30 =	sadd.s32 s26, s24;
	v0 =	vld [tilespmem:s5+$0x0]  }
0xcf: {  	v1 =	vld [tilespmem:s30+$0x0];
	_ =	sdelay $0x4  }
0xd0: {  	p3 =	seq.s32 s20, $0x1F;
	v0 =	vadd.f32 v0, v1  }
0xd1: {  	s31 =	sadd.s32 s26, s23;
	p1 =	por p3, p1  }
0xd2: {  	s0 =	sshll.u32 @p1 s21, $0xA;
	[tilespmem:s31+$0x0] =	vst v0  }
0xd3: {  	s5 =	sadd.s32 @p1 $0x5, s22;
	s0 =	sand.u32 @p1 $0x1FFFFC00, s0;
	_ =	strace $0x9000004D  }
0xd4: {  	s21 =	simm.s32 @p1 $0x0;
	s0 =	sadd.s32 @p1 s3, s0;
	_ =	strace @p1 $0x8000004E  }
0xd5: {  	[hbm4b:s0+s21] =	stream.linear.scatter @p1 [tilespmem:s23], [sflag:s5], $0x2000, $0x200038;
	[tilespmem:$0xC000] =	vst v63  }
0xd6: {  	p0 =	por p3, p0;
	s0 =	sand.u32 @!p2 $0x1, s14;
	s5 =	simm.s32 $0x1  }
0xd7: {  	s21 =	simm.s32 $0x1;
	_ =	strace @p1 $0x9000004E;
	s0 =	sadd.s32 @!p2 $0x5, s0  }
0xd8: {  	s5 =	simm.s32 @!p1 $0x0;
	p1 =	sne.s32 s20, $0x0;
	s20 =	sadd.s32 $0x1, s20  }
0xd9: {  	s21 =	simm.s32 @!p0 $0x0;
	_ =	strace @!p2 $0x8000004F;
	p0 =	sne.s32 s20, $0x20  }
.Ltmp8:
0xda: {  	_ =	swait.ge @!p2 [sflag:s0], $0x2000;
	(pc) =	sbr.rel @p0 .LBB2_2-.Ltmp8, $4  }
0xdb: {  	[sflag:s0] =	ssyncset.done @!p2 $0x0  }
0xdc: {  	[sflag:s0] =	ssyncadd.s32 @!p2 $0xFFFFE000;
	s0 =	simm.s32 $0x1  }
0xdd: {  	s15 =	sadd.s32 s5, s15;
	s18 =	sadd.s32 s5, s18;
	s0 =	simm.s32 @!p1 $0x0  }
0xde: {  	s16 =	sadd.s32 s21, s16;
	_ =	strace @!p2 $0x9000004F;
	s14 =	sadd.s32 s0, s14  }
0xdf: {  	s12 =	sadd.s32 $0x1, s12  }
0xe0: {  	p0 =	sne.s32 s12, s9  }
.Ltmp9:
0xe1: {  	_ =	strace $0x80000050;
	(pc) =	sbr.rel @p0 .LBB2_1-.Ltmp9, $4  }
0xe2: {  	_ =	swait.ge [sflag:s11], $0x2000  }
0xe3: {  	[sflag:s11] =	ssyncset.done $0x0  }
0xe4: {  	[sflag:s11] =	ssyncadd.s32 $0xFFFFE000  }
0xe5: {  	_ =	strace $0x90000050  }
0xe6: {  	_ =	sfence.sel $0x180000  }
0xe7: {  	[bflag:$0x0] =	sbarrier.arrive $0xFFFF  }
0xe8: {  	_ =	strace $0x90000047  }
0xe9: {  	s0 =	stileid.u32;
	[bflag:$0x2] =	sbarrier.arrive $0xFFFF  }
0xea: {  	p0 =	sne.s32 s0, $0x0;
	s0 =	rddreg [dreg:$0x3]  }
0xeb: {  	s0 =	sadd.s32 @!p0 $0x100000, s0  }
0xec: {  	[sflag:s0] =	ssyncadd.tile.s32 @!p0 $0x1;
	_ =	shalt  }
.Lfunc_end2:
_tile_overlayer_lowered:
.L_overlay_start_2:
0xed: {  	(tag) =	ssettag $0x2  }
0xee: {  	s0 =	rddreg [dreg:$0x0];
	s2 =	stileid.u32  }
0xef: {  	s1 =	rddreg [dreg:$0x1];
	p0 =	sne.s32 s2, $0x0  }
0xf0: {  	s3 =	rddreg [dreg:$0x2];
	[bflag:$0x3] =	sbarrier.arrive $0xFFFF;
	s2 =	simm.s32 @!p0 $0x1C01  }
0xf1: {  	[timem:s3], [sflag:s2] =	dma.local @!p0 [hbm:s0], s1  }
0xf2: {  	s0 =	simm.s32 @!p0 $0x1  }
0xf3: {  	_ =	swait.ge @!p0 [sflag:s0], s1  }
0xf4: {  	s1 =	ssub.s32 @!p0 $0x0, s1;
	[sflag:s0] =	ssyncset.done @!p0 $0x0  }
0xf5: {  	[sflag:s0] =	ssyncadd.s32 @!p0 s1  }
0xf6: {  	[bflag:$0x3] =	sbarrier.arrive $0xFFFF  }
0xf7: {  	_ =	shalt  }

</sc_bundles>
